<compile_context>
chip_gen: v7x
topology: tpu7x:2x2x1
jax: 0.10.2.dev20260603
libtpu: 0.0.44.dev20260713+nightly
codegen_flags: <defaults>
</compile_context>

<pallas_src>
import functools

import jax
import jax.numpy as jnp
from jax.experimental import pallas as pl
from jax.experimental.pallas import tpu as pltpu
from jax.experimental.pallas import tpu_sc as plsc

DIM = 1024
LATENT = 512
NE = 8
TOKENS = 2048
TB = 512
BLK = 128
NBLK = 40
CAP = NBLK * BLK
HMAX = 2048
NW = 32
TPT = TOKENS // NW
COST_LAMBDA = 5e-07
_SQRT_HALF = 0.7071067811865476


def _gelu(x):
    x = x.astype(jnp.float32)
    return x * 0.5 * (1.0 + jax.lax.erf(x * _SQRT_HALF))


def _bdot(a16, b16):
    return jax.lax.dot_general(
        a16, b16, (((1,), (1,)), ((), ())), preferred_element_type=jnp.float32)


def _stage1_body(x_ref, wdown_ref, wrhi_ref, wrlo_ref, brow_ref, wcore_ref,
                 ws1_ref, ws2_ref, bdown_ref, bcore_ref, bs1_ref, bs2_ref,
                 g_ref, wg_ref, counts_ref, sh_ref, core_ref):
    xb = x_ref[...]
    xb16 = xb.astype(jnp.bfloat16)
    xlo16 = (xb - xb16.astype(jnp.float32)).astype(jnp.bfloat16)

    h = _bdot(xb16, wdown_ref[...]) + bdown_ref[...]
    g = _gelu(h)
    g16 = g.astype(jnp.bfloat16)
    g_ref[...] = g16

    logits = (_bdot(xb16, wrhi_ref[...])
              + (_bdot(xb16, wrlo_ref[...]) + _bdot(xlo16, wrhi_ref[...]))
              + brow_ref[...])
    mx = jnp.max(logits, axis=-1, keepdims=True)
    ex = jnp.exp(logits - mx)
    probs = ex / jnp.sum(ex, axis=-1, keepdims=True)

    iota = jax.lax.broadcasted_iota(jnp.int32, probs.shape, 1)
    m0 = jnp.max(probs, axis=-1, keepdims=True)
    e0 = jnp.min(jnp.where(probs >= m0, iota, NE), axis=-1, keepdims=True)
    oh0 = (iota == e0)
    probs1 = jnp.where(oh0, -1.0, probs)
    m1 = jnp.max(probs1, axis=-1, keepdims=True)
    e1 = jnp.min(jnp.where(probs1 >= m1, iota, NE), axis=-1, keepdims=True)
    oh1 = (iota == e1)

    ed = jnp.exp(m1 - m0)
    gate0 = 1.0 / (1.0 + ed)
    gate1 = ed * gate0

    w = gate0 * oh0.astype(jnp.float32) + gate1 * oh1.astype(jnp.float32)
    wg_ref[...] = jnp.concatenate(
        [w, jnp.broadcast_to(gate0, (TB, 4)), jnp.broadcast_to(gate1, (TB, 4))],
        axis=-1)

    a0 = jnp.max(oh0.astype(jnp.float32), axis=0, keepdims=True)
    a1 = jnp.max(oh1.astype(jnp.float32), axis=0, keepdims=True)
    cblk = jnp.broadcast_to(jnp.concatenate([a0, a1], axis=-1), (8, 2 * NE))

    @pl.when(pl.program_id(0) == 0)
    def _init():
        counts_ref[...] = cblk

    @pl.when(pl.program_id(0) > 0)
    def _acc():
        counts_ref[...] = jnp.maximum(counts_ref[...], cblk)

    core_ref[...] = _bdot(_gelu(xb).astype(jnp.bfloat16), wcore_ref[...]) \
        + bcore_ref[...]

    s1 = _gelu(_bdot(g16, ws1_ref[...]) + bs1_ref[...])
    sh_ref[...] = (_bdot(s1.astype(jnp.bfloat16), ws2_ref[...])
                   + bs2_ref[...]).astype(jnp.bfloat16)


def _routing_body(wg_ref, dg_ref, bmap_ref):
    w = wg_ref[:, 0:NE]
    sel = (w > 0.0).astype(jnp.float32)
    iota = jax.lax.broadcasted_iota(jnp.int32, w.shape, 1)
    ia = jnp.min(jnp.where(sel > 0.5, iota, NE), axis=-1, keepdims=True)
    oha = (iota == ia)
    selb = jnp.where(oha, 0.0, sel)
    ib = jnp.min(jnp.where(selb > 0.5, iota, NE), axis=-1, keepdims=True)
    ohb = (iota == ib)
    ohaf = oha.astype(jnp.float32)
    ohbf = ohb.astype(jnp.float32)

    ga = jnp.sum(w * ohaf, axis=-1, keepdims=True)
    gb = jnp.sum(w * ohbf, axis=-1, keepdims=True)

    cum = sel
    shift = 1
    while shift < TOKENS:
        cum = cum + jnp.concatenate(
            [jnp.zeros((shift, NE), jnp.float32), cum[:TOKENS - shift, :]],
            axis=0)
        shift *= 2
    excl = cum - sel
    cnt = cum[TOKENS - 1:TOKENS, :]
    nb = jnp.floor((cnt + (BLK - 1)) * (1.0 / BLK))
    tri = (jax.lax.broadcasted_iota(jnp.int32, (NE, NE), 0)
           <= jax.lax.broadcasted_iota(jnp.int32, (NE, NE), 1))
    cumblk = jax.lax.dot_general(
        nb, tri.astype(jnp.float32), (((1,), (0,)), ((), ())),
        preferred_element_type=jnp.float32)
    off = (cumblk - nb) * float(BLK)

    da = (jnp.sum(excl * ohaf, axis=-1, keepdims=True)
          + jnp.sum(off * ohaf, axis=-1, keepdims=True))
    db = (jnp.sum(excl * ohbf, axis=-1, keepdims=True)
          + jnp.sum(off * ohbf, axis=-1, keepdims=True))
    dg_ref[...] = jnp.concatenate(
        [da, db, ga, gb, jnp.zeros((TOKENS, 4), jnp.float32)], axis=-1)

    jblk = jax.lax.broadcasted_iota(
        jnp.int32, (1, 64), 1).astype(jnp.float32)
    bacc = jnp.zeros((1, 64), jnp.float32)
    for e in range(NE):
        bacc = bacc + (jblk >= cumblk[0:1, e:e + 1]).astype(jnp.float32)
    bmap_ref[...] = jnp.broadcast_to(jnp.minimum(bacc, float(NE - 1)), (8, 64))


def _sc_dispatch(g_i32, da, db):
    mesh = plsc.VectorSubcoreMesh(core_axis_name="c", subcore_axis_name="s")

    @functools.partial(
        pl.kernel, mesh=mesh,
        out_type=jax.ShapeDtypeStruct((CAP, LATENT // 2), jnp.int32),
        scratch_types=[
            pltpu.VMEM((TPT, LATENT // 2), jnp.int32),
            pltpu.VMEM((TPT,), jnp.int32),
            pltpu.VMEM((TPT,), jnp.int32),
            pltpu.SemaphoreType.DMA,
            pltpu.SemaphoreType.DMA,
        ],
    )
    def disp(g_hbm, da_hbm, db_hbm, buf_hbm, rows_v, da_v, db_v, sem0, sem1):
        wid = jax.lax.axis_index("s") * 2 + jax.lax.axis_index("c")
        base = wid * TPT
        pltpu.sync_copy(da_hbm.at[pl.ds(base, TPT)], da_v)
        pltpu.sync_copy(db_hbm.at[pl.ds(base, TPT)], db_v)
        pltpu.sync_copy(g_hbm.at[pl.ds(base, TPT)], rows_v)
        cp0 = pltpu.async_copy(rows_v, buf_hbm.at[da_v], sem0)
        cp1 = pltpu.async_copy(rows_v, buf_hbm.at[db_v], sem1)
        cp0.wait()
        cp1.wait()

    return disp(g_i32, da, db)


def _sc_gather(y_i32, da, db):
    mesh = plsc.VectorSubcoreMesh(core_axis_name="c", subcore_axis_name="s")

    @functools.partial(
        pl.kernel, mesh=mesh,
        out_type=[jax.ShapeDtypeStruct((TOKENS, LATENT // 2), jnp.int32),
                  jax.ShapeDtypeStruct((TOKENS, LATENT // 2), jnp.int32)],
        scratch_types=[
            pltpu.VMEM((TPT, LATENT // 2), jnp.int32),
            pltpu.VMEM((TPT, LATENT // 2), jnp.int32),
            pltpu.VMEM((TPT,), jnp.int32),
            pltpu.VMEM((TPT,), jnp.int32),
            pltpu.SemaphoreType.DMA,
            pltpu.SemaphoreType.DMA,
        ],
    )
    def gath(y_hbm, da_hbm, db_hbm, ya_hbm, yb_hbm,
             rowsa_v, rowsb_v, da_v, db_v, sem0, sem1):
        wid = jax.lax.axis_index("s") * 2 + jax.lax.axis_index("c")
        base = wid * TPT
        pltpu.sync_copy(da_hbm.at[pl.ds(base, TPT)], da_v)
        pltpu.sync_copy(db_hbm.at[pl.ds(base, TPT)], db_v)
        cp0 = pltpu.async_copy(y_hbm.at[da_v], rowsa_v, sem0)
        cp1 = pltpu.async_copy(y_hbm.at[db_v], rowsb_v, sem1)
        cp0.wait()
        cp1.wait()
        pltpu.sync_copy(rowsa_v, ya_hbm.at[pl.ds(base, TPT)])
        pltpu.sync_copy(rowsb_v, yb_hbm.at[pl.ds(base, TPT)])

    return gath(y_i32, da, db)


def _grouped_body(*refs):
    bm_ref = refs[0]
    buf_ref = refs[1]
    w1_refs = refs[2:2 + NE]
    b1_refs = refs[2 + NE:2 + 2 * NE]
    w2_refs = refs[2 + 2 * NE:2 + 3 * NE]
    b2_refs = refs[2 + 3 * NE:2 + 4 * NE]
    y_ref = refs[-1]

    e = bm_ref[pl.program_id(0)]

    def _mk(ei):
        def _branch():
            z1 = _gelu(_bdot(buf_ref[...], w1_refs[ei][...])
                       + b1_refs[ei][...])
            return _bdot(z1.astype(jnp.bfloat16), w2_refs[ei][...]) \
                + b2_refs[ei][...]
        return _branch

    y_ref[...] = jax.lax.switch(
        e, [_mk(ei) for ei in range(NE)]).astype(jnp.bfloat16)


def _combine_body(*refs):
    (ya_ref, yb_ref, wg_ref, dg_ref, sh_ref, core_ref, counts_ref,
     wup_ref, bup_ref) = refs[:9]
    b1_refs = refs[9:9 + NE]
    w2_refs = refs[9 + NE:9 + 2 * NE]
    b2_refs = refs[9 + 2 * NE:9 + 3 * NE]
    out_ref = refs[-2]
    ca_ref = refs[-1]

    @pl.when(pl.program_id(0) == 0)
    def _constants():
        for e in range(NE):
            gb16 = _gelu(b1_refs[e][...]).astype(jnp.bfloat16)
            ca_ref[e:e + 1, :] = _bdot(gb16, w2_refs[e][...]) + b2_refs[e][...]
        c = ca_ref[0:NE, :]
        act0 = counts_ref[0:1, 0:NE] > 0.5
        act1 = counts_ref[0:1, NE:2 * NE] > 0.5
        ca_ref[NE:NE + 1, :] = jnp.sum(jnp.where(act0.T, c, 0.0), axis=0,
                                       keepdims=True)
        ca_ref[NE + 1:NE + 2, :] = jnp.sum(jnp.where(act1.T, c, 0.0), axis=0,
                                           keepdims=True)

    wg = wg_ref[...]
    dg = dg_ref[...]
    ga = dg[:, 2:3]
    gb = dg[:, 3:4]
    moe = (ga * ya_ref[...].astype(jnp.float32)
           + gb * yb_ref[...].astype(jnp.float32))
    for e in range(NE):
        moe = moe - wg[:, e:e + 1] * ca_ref[e:e + 1, :]
    gate0 = wg[:, NE:NE + 1]
    gate1 = wg[:, NE + 4:NE + 5]
    acc = (moe + gate0 * ca_ref[NE:NE + 1, :]
           + gate1 * ca_ref[NE + 1:NE + 2, :])
    t16 = (acc + 0.1 * sh_ref[...].astype(jnp.float32)).astype(jnp.bfloat16)
    out_ref[...] = _bdot(t16, wup_ref[...]) + bup_ref[...] + core_ref[...]


def kernel(x, W_down, b_down, W_up, b_up, expert_W1s, expert_b1s, expert_W2s,
           expert_b2s, W_shared1, b_shared1, W_shared2, b_shared2, W_router,
           b_router, W_core, b_core, expert_cost):
    f32 = jnp.float32
    bf16 = jnp.bfloat16
    X = x.reshape(TOKENS, DIM)
    nblk = TOKENS // TB

    brow = (b_router - COST_LAMBDA * expert_cost).reshape(1, NE)
    wr_hi = W_router.astype(bf16)
    wr_lo = (W_router - wr_hi.astype(f32)).astype(bf16)

    full = lambda shape: pl.BlockSpec(shape, lambda i: (0,) * len(shape))
    tb = lambda n: pl.BlockSpec((TB, n), lambda i: (i, 0))

    g16, wg, counts, sh16, core = pl.pallas_call(
        _stage1_body,
        grid=(nblk,),
        in_specs=[
            tb(DIM),
            full((LATENT, DIM)), full((NE, DIM)), full((NE, DIM)),
            full((1, NE)),
            full((DIM, DIM)), full((LATENT, LATENT)), full((LATENT, LATENT)),
            full((1, LATENT)), full((1, DIM)), full((1, LATENT)),
            full((1, LATENT)),
        ],
        out_specs=[
            tb(LATENT), tb(2 * NE),
            pl.BlockSpec((8, 2 * NE), lambda i: (0, 0)),
            tb(LATENT), tb(DIM),
        ],
        out_shape=[
            jax.ShapeDtypeStruct((TOKENS, LATENT), bf16),
            jax.ShapeDtypeStruct((TOKENS, 2 * NE), f32),
            jax.ShapeDtypeStruct((8, 2 * NE), f32),
            jax.ShapeDtypeStruct((TOKENS, LATENT), bf16),
            jax.ShapeDtypeStruct((TOKENS, DIM), f32),
        ],
    )(X, W_down.astype(bf16), wr_hi, wr_lo, brow, W_core.astype(bf16),
      W_shared1.astype(bf16), W_shared2.astype(bf16),
      b_down.reshape(1, LATENT), b_core.reshape(1, DIM),
      b_shared1.reshape(1, LATENT), b_shared2.reshape(1, LATENT))

    dg, bmapf = pl.pallas_call(
        _routing_body,
        grid=(1,),
        in_specs=[full((TOKENS, 2 * NE))],
        out_specs=[full((TOKENS, NE)), full((8, 64))],
        out_shape=[jax.ShapeDtypeStruct((TOKENS, NE), f32),
                   jax.ShapeDtypeStruct((8, 64), f32)],
    )(wg)

    da = dg[:, 0].astype(jnp.int32)
    db = dg[:, 1].astype(jnp.int32)
    bmap = bmapf[0, 0:NBLK].astype(jnp.int32)

    g_i32 = jax.lax.bitcast_convert_type(
        g16.reshape(TOKENS, LATENT // 2, 2), jnp.int32)
    buf_i32 = jnp.zeros((CAP, LATENT // 2), jnp.int32).at[da].set(
        g_i32).at[db].set(g_i32)
    buf16 = jax.lax.bitcast_convert_type(buf_i32, bf16).reshape(CAP, LATENT)

    gspecs = [pl.BlockSpec((BLK, LATENT), lambda i, bm: (i, 0))]
    gargs = [buf16]
    fullp = lambda shape: pl.BlockSpec(shape, lambda i, bm: (0,) * len(shape))
    for e in range(NE):
        hd = expert_W1s[e].shape[0]
        gspecs.append(fullp((hd, LATENT)))
        gargs.append(expert_W1s[e].astype(bf16))
    for e in range(NE):
        hd = expert_b1s[e].shape[0]
        gspecs.append(fullp((1, hd)))
        gargs.append(expert_b1s[e].reshape(1, hd))
    for e in range(NE):
        hd = expert_W2s[e].shape[1]
        gspecs.append(fullp((LATENT, hd)))
        gargs.append(expert_W2s[e].astype(bf16))
    for e in range(NE):
        gspecs.append(fullp((1, LATENT)))
        gargs.append(expert_b2s[e].reshape(1, LATENT))

    y16 = pl.pallas_call(
        _grouped_body,
        grid_spec=pltpu.PrefetchScalarGridSpec(
            num_scalar_prefetch=1,
            grid=(NBLK,),
            in_specs=gspecs,
            out_specs=pl.BlockSpec((BLK, LATENT), lambda i, bm: (i, 0)),
        ),
        out_shape=jax.ShapeDtypeStruct((CAP, LATENT), bf16),
    )(bmap, *gargs)

    y_i32 = jax.lax.bitcast_convert_type(
        y16.reshape(CAP, LATENT // 2, 2), jnp.int32)
    ya_i32, yb_i32 = y_i32[da], y_i32[db]
    ya16 = jax.lax.bitcast_convert_type(ya_i32, bf16).reshape(TOKENS, LATENT)
    yb16 = jax.lax.bitcast_convert_type(yb_i32, bf16).reshape(TOKENS, LATENT)

    in_specs5 = [tb(LATENT), tb(LATENT), tb(2 * NE), tb(NE), tb(LATENT),
                 tb(DIM), full((8, 2 * NE)), full((DIM, LATENT)),
                 full((1, DIM))]
    args5 = [ya16, yb16, wg, dg, sh16, core, counts, W_up.astype(bf16),
             b_up.reshape(1, DIM)]
    for e in range(NE):
        hd = expert_b1s[e].shape[0]
        in_specs5.append(full((1, hd)))
        args5.append(expert_b1s[e].reshape(1, hd))
    for e in range(NE):
        hd = expert_W2s[e].shape[1]
        in_specs5.append(full((LATENT, hd)))
        args5.append(expert_W2s[e].astype(bf16))
    for e in range(NE):
        in_specs5.append(full((1, LATENT)))
        args5.append(expert_b2s[e].reshape(1, LATENT))

    out = pl.pallas_call(
        _combine_body,
        grid=(nblk,),
        in_specs=in_specs5,
        out_specs=tb(DIM),
        out_shape=jax.ShapeDtypeStruct((TOKENS, DIM), f32),
        scratch_shapes=[pltpu.VMEM((2 * NE, LATENT), f32)],
    )(*args5)

    return out.reshape(x.shape)

# --- scband reference (transcript-rebuilt; emitter-appended) ---
"""Pipeline reference for scband-cost-aware-hetero-mo-e-77309411328331 (READ-ONLY COPY).

The authoritative reference and input builder live on the scoring server;
editing this copy changes nothing except your own understanding.
"""

import jax, jax.numpy as jnp
import numpy as np

DIM = 1024
LATENT = 512
EXPERTS = [1024, 2048, 1024, 2048, 512, 1024, 2048, 512]
TOPK = 2
COST_LAMBDA = 5e-07


def _lin_init(key, out_d, in_d):
    k1, k2 = jax.random.split(key)
    bound = 1.0 / np.sqrt(in_d)
    W = jax.random.uniform(k1, (out_d, in_d), minval=-bound, maxval=bound, dtype=jnp.float32)
    b = jax.random.uniform(k2, (out_d,), minval=-bound, maxval=bound, dtype=jnp.float32)
    return W, b


def setup_inputs(seed: int = 0):
    key = jax.random.key(seed)
    keys = jax.random.split(key, 64)
    x = jax.random.normal(keys[0], (1, 2048, DIM), dtype=jnp.float32)
    W_down, b_down = _lin_init(keys[1], LATENT, DIM)
    W_up, b_up = _lin_init(keys[2], DIM, LATENT)
    eW1, eb1, eW2, eb2 = [], [], [], []
    for i, hd in enumerate(EXPERTS):
        W1, b1 = _lin_init(keys[3 + 2 * i], hd, LATENT)
        W2, b2 = _lin_init(keys[4 + 2 * i], LATENT, hd)
        eW1.append(W1); eb1.append(b1); eW2.append(W2); eb2.append(b2)
    W_shared1, b_shared1 = _lin_init(keys[30], LATENT, LATENT)
    W_shared2, b_shared2 = _lin_init(keys[31], LATENT, LATENT)
    W_router, b_router = _lin_init(keys[32], len(EXPERTS), DIM)
    W_core, b_core = _lin_init(keys[33], DIM, DIM)
    expert_cost = jnp.array([2 * LATENT * hd for hd in EXPERTS], dtype=jnp.float32)
    return {
        "x": x,
        "W_down": W_down, "b_down": b_down,
        "W_up": W_up, "b_up": b_up,
        "expert_W1s": tuple(eW1), "expert_b1s": tuple(eb1),
        "expert_W2s": tuple(eW2), "expert_b2s": tuple(eb2),
        "W_shared1": W_shared1, "b_shared1": b_shared1,
        "W_shared2": W_shared2, "b_shared2": b_shared2,
        "W_router": W_router, "b_router": b_router,
        "W_core": W_core, "b_core": b_core,
        "expert_cost": expert_cost,
    }


def reference(x, W_down, b_down, W_up, b_up, expert_W1s, expert_b1s, expert_W2s, expert_b2s,
              W_shared1, b_shared1, W_shared2, b_shared2, W_router, b_router, W_core, b_core,
              expert_cost):
    def lin(a, W, b):
        return a @ W.T + b

    def gelu(a):
        return jax.nn.gelu(a, approximate=False)

    num_experts = len(expert_W1s)
    h = lin(x, W_down, b_down)
    logits = lin(x, W_router, b_router) - COST_LAMBDA * expert_cost
    probs = jax.nn.softmax(logits, axis=-1)
    topv, top_i = jax.lax.top_k(probs, TOPK)
    gate = jax.nn.softmax(topv, axis=-1)[..., None]
    out = jnp.zeros_like(h)
    for k in range(TOPK):
        e_idx = top_i[..., k]
        mask = jax.nn.one_hot(e_idx, num_experts, dtype=h.dtype)
        batch_out = jnp.zeros_like(h)
        for e in range(num_experts):
            m = mask[..., e][..., None]
            z = gelu(h * m)
            z = lin(z, expert_W1s[e], expert_b1s[e])
            z = gelu(z)
            z = lin(z, expert_W2s[e], expert_b2s[e])
            batch_out = batch_out + jnp.where(jnp.sum(m) > 0, z, jnp.zeros_like(z))
        out = out + batch_out * gate[..., k, :]
    sh = lin(gelu(lin(gelu(h), W_shared1, b_shared1)), W_shared2, b_shared2)
    out = out + 0.1 * sh
    out = lin(out, W_up, b_up)
    out = out + lin(gelu(x), W_core, b_core)
    return out

if __name__ == "__main__":
    import jax
    _d = setup_inputs()
    print(jax.jit(kernel)(*tuple(_d.values())))

</pallas_src>

<mosaic_0001>
module attributes {stable_mosaic.version = 14 : i64} {
  func.func @_stage1_body(%arg0: i32, %arg1: memref<512x1024xf32, #tpu.memory_space<vmem>>, %arg2: memref<512x1024xbf16, #tpu.memory_space<vmem>>, %arg3: memref<8x1024xbf16, #tpu.memory_space<vmem>>, %arg4: memref<8x1024xbf16, #tpu.memory_space<vmem>>, %arg5: memref<1x8xf32, #tpu.memory_space<vmem>>, %arg6: memref<1024x1024xbf16, #tpu.memory_space<vmem>>, %arg7: memref<512x512xbf16, #tpu.memory_space<vmem>>, %arg8: memref<512x512xbf16, #tpu.memory_space<vmem>>, %arg9: memref<1x512xf32, #tpu.memory_space<vmem>>, %arg10: memref<1x1024xf32, #tpu.memory_space<vmem>>, %arg11: memref<1x512xf32, #tpu.memory_space<vmem>>, %arg12: memref<1x512xf32, #tpu.memory_space<vmem>>, %arg13: memref<512x512xbf16, #tpu.memory_space<vmem>>, %arg14: memref<512x16xf32, #tpu.memory_space<vmem>>, %arg15: memref<8x16xf32, #tpu.memory_space<vmem>>, %arg16: memref<512x512xbf16, #tpu.memory_space<vmem>>, %arg17: memref<512x1024xf32, #tpu.memory_space<vmem>>) attributes {dimension_semantics = [#tpu.dimension_semantics<arbitrary>], iteration_bounds = array<i64: 4>, scalar_prefetch = 0 : i64, scratch_operands = 0 : i64, tpu.core_type = #tpu.core_type<tc>, window_params = [{transform_indices = @transform_0, window_bounds = array<i64: 512, 1024>}, {pipeline_mode = #tpu.pipeline_mode<synchronous>, transform_indices = @transform_1, window_bounds = array<i64: 512, 1024>}, {pipeline_mode = #tpu.pipeline_mode<synchronous>, transform_indices = @transform_2, window_bounds = array<i64: 8, 1024>}, {pipeline_mode = #tpu.pipeline_mode<synchronous>, transform_indices = @transform_3, window_bounds = array<i64: 8, 1024>}, {pipeline_mode = #tpu.pipeline_mode<synchronous>, transform_indices = @transform_4, window_bounds = array<i64: 1, 8>}, {pipeline_mode = #tpu.pipeline_mode<synchronous>, transform_indices = @transform_5, window_bounds = array<i64: 1024, 1024>}, {pipeline_mode = #tpu.pipeline_mode<synchronous>, transform_indices = @transform_6, window_bounds = array<i64: 512, 512>}, {pipeline_mode = #tpu.pipeline_mode<synchronous>, transform_indices = @transform_7, window_bounds = array<i64: 512, 512>}, {pipeline_mode = #tpu.pipeline_mode<synchronous>, transform_indices = @transform_8, window_bounds = array<i64: 1, 512>}, {pipeline_mode = #tpu.pipeline_mode<synchronous>, transform_indices = @transform_9, window_bounds = array<i64: 1, 1024>}, {pipeline_mode = #tpu.pipeline_mode<synchronous>, transform_indices = @transform_10, window_bounds = array<i64: 1, 512>}, {pipeline_mode = #tpu.pipeline_mode<synchronous>, transform_indices = @transform_11, window_bounds = array<i64: 1, 512>}, {transform_indices = @transform_12, window_bounds = array<i64: 512, 512>}, {transform_indices = @transform_13, window_bounds = array<i64: 512, 16>}, {pipeline_mode = #tpu.pipeline_mode<synchronous>, transform_indices = @transform_14, window_bounds = array<i64: 8, 16>}, {transform_indices = @transform_15, window_bounds = array<i64: 512, 512>}, {transform_indices = @transform_16, window_bounds = array<i64: 512, 1024>}]} {
    %get3A = arith.constant 0 : index
    %get3A_0 = arith.constant 0 : index
    %get3A_1 = vector.load %arg1[%get3A, %get3A_0] : memref<512x1024xf32, #tpu.memory_space<vmem>>, vector<512x1024xf32>
    %convert_element_type3A = arith.truncf %get3A_1 : vector<512x1024xf32> to vector<512x1024xbf16>
    %convert_element_type3A_2 = arith.extf %convert_element_type3A : vector<512x1024xbf16> to vector<512x1024xf32>
    %sub3A = arith.subf %get3A_1, %convert_element_type3A_2 : vector<512x1024xf32>
    %convert_element_type3A_3 = arith.truncf %sub3A : vector<512x1024xf32> to vector<512x1024xbf16>
    %get3A_4 = arith.constant 0 : index
    %get3A_5 = arith.constant 0 : index
    %get3A_6 = vector.load %arg2[%get3A_4, %get3A_5] : memref<512x1024xbf16, #tpu.memory_space<vmem>>, vector<512x1024xbf16>
    %dot_general3A = arith.constant dense<0.000000e+00> : vector<512x512xf32>
    %dot_general3A_7 = tpu.matmul %convert_element_type3A, %get3A_6, %dot_general3A {dimension_numbers = #tpu.dot_dimension_numbers<[1], [1], [0], [0], [0, 0, 1, 0], [], []>, transpose_lhs_hint = false} : vector<512x1024xbf16>, vector<512x1024xbf16>, vector<512x512xf32> -> vector<512x512xf32>
    %get3A_8 = arith.constant 0 : index
    %get3A_9 = arith.constant 0 : index
    %get3A_10 = vector.load %arg9[%get3A_8, %get3A_9] : memref<1x512xf32, #tpu.memory_space<vmem>>, vector<1x512xf32>
    %add3A = vector.broadcast %get3A_10 : vector<1x512xf32> to vector<512x512xf32>
    %add3A_11 = arith.addf %dot_general3A_7, %add3A : vector<512x512xf32>
    %mul3A = arith.constant 5.000000e-01 : f32
    %mul3A_12 = vector.broadcast %mul3A : f32 to vector<512x512xf32>
    %mul3A_13 = arith.mulf %add3A_11, %mul3A_12 : vector<512x512xf32>
    %mul3A_14 = arith.constant 0.707106769 : f32
    %mul3A_15 = vector.broadcast %mul3A_14 : f32 to vector<512x512xf32>
    %mul3A_16 = arith.mulf %add3A_11, %mul3A_15 : vector<512x512xf32>
    %erf3A = math.erf %mul3A_16 : vector<512x512xf32>
    %add3A_17 = arith.constant 1.000000e+00 : f32
    %add3A_18 = vector.broadcast %add3A_17 : f32 to vector<512x512xf32>
    %add3A_19 = arith.addf %add3A_18, %erf3A : vector<512x512xf32>
    %mul3A_20 = arith.mulf %mul3A_13, %add3A_19 : vector<512x512xf32>
    %convert_element_type3A_21 = arith.truncf %mul3A_20 : vector<512x512xf32> to vector<512x512xbf16>
    %swap3A = arith.constant 0 : index
    %swap3A_22 = arith.constant 0 : index
    %swap3A_23 = vector.load %arg13[%swap3A, %swap3A_22] : memref<512x512xbf16, #tpu.memory_space<vmem>>, vector<512x512xbf16>
    tpu.vector_store %arg13[%swap3A, %swap3A_22], %convert_element_type3A_21 {strides = array<i32>} : memref<512x512xbf16, #tpu.memory_space<vmem>>, vector<512x512xbf16>,
    %get3A_24 = arith.constant 0 : index
    %get3A_25 = arith.constant 0 : index
    %get3A_26 = vector.load %arg3[%get3A_24, %get3A_25] : memref<8x1024xbf16, #tpu.memory_space<vmem>>, vector<8x1024xbf16>
    %dot_general3A_27 = arith.constant dense<0.000000e+00> : vector<512x8xf32>
    %dot_general3A_28 = tpu.matmul %convert_element_type3A, %get3A_26, %dot_general3A_27 {dimension_numbers = #tpu.dot_dimension_numbers<[1], [1], [0], [0], [0, 0, 1, 0], [], []>, transpose_lhs_hint = false} : vector<512x1024xbf16>, vector<8x1024xbf16>, vector<512x8xf32> -> vector<512x8xf32>
    %get3A_29 = arith.constant 0 : index
    %get3A_30 = arith.constant 0 : index
    %get3A_31 = vector.load %arg4[%get3A_29, %get3A_30] : memref<8x1024xbf16, #tpu.memory_space<vmem>>, vector<8x1024xbf16>
    %dot_general3A_32 = arith.constant dense<0.000000e+00> : vector<512x8xf32>
    %dot_general3A_33 = tpu.matmul %convert_element_type3A, %get3A_31, %dot_general3A_32 {dimension_numbers = #tpu.dot_dimension_numbers<[1], [1], [0], [0], [0, 0, 1, 0], [], []>, transpose_lhs_hint = false} : vector<512x1024xbf16>, vector<8x1024xbf16>, vector<512x8xf32> -> vector<512x8xf32>
    %get3A_34 = arith.constant 0 : index
    %get3A_35 = arith.constant 0 : index
    %get3A_36 = vector.load %arg3[%get3A_34, %get3A_35] : memref<8x1024xbf16, #tpu.memory_space<vmem>>, vector<8x1024xbf16>
    %dot_general3A_37 = arith.constant dense<0.000000e+00> : vector<512x8xf32>
    %dot_general3A_38 = tpu.matmul %convert_element_type3A_3, %get3A_36, %dot_general3A_37 {dimension_numbers = #tpu.dot_dimension_numbers<[1], [1], [0], [0], [0, 0, 1, 0], [], []>, transpose_lhs_hint = false} : vector<512x1024xbf16>, vector<8x1024xbf16>, vector<512x8xf32> -> vector<512x8xf32>
    %add3A_39 = arith.addf %dot_general3A_33, %dot_general3A_38 : vector<512x8xf32>
    %add3A_40 = arith.addf %dot_general3A_28, %add3A_39 : vector<512x8xf32>
    %get3A_41 = arith.constant 0 : index
    %get3A_42 = arith.constant 0 : index
    %get3A_43 = vector.load %arg5[%get3A_41, %get3A_42] : memref<1x8xf32, #tpu.memory_space<vmem>>, vector<1x8xf32>
    %add3A_44 = vector.broadcast %get3A_43 : vector<1x8xf32> to vector<512x8xf32>
    %add3A_45 = arith.addf %add3A_40, %add3A_44 : vector<512x8xf32>
    %reduce_max3A = arith.constant dense<0xFF800000> : vector<512xf32>
    %reduce_max3A_46 = vector.multi_reduction <maximumf>, %add3A_45, %reduce_max3A [1] : vector<512x8xf32> to vector<512xf32>
    %broadcast_in_dim3A = vector.shape_cast %reduce_max3A_46 : vector<512xf32> to vector<512x1xf32>
    %sub3A_47 = vector.broadcast %broadcast_in_dim3A : vector<512x1xf32> to vector<512x8xf32>
    %sub3A_48 = arith.subf %add3A_45, %sub3A_47 : vector<512x8xf32>
    %exp3A = math.exp %sub3A_48 : vector<512x8xf32>
    %reduce_sum3A = arith.constant dense<0.000000e+00> : vector<512xf32>
    %reduce_sum3A_49 = vector.multi_reduction <add>, %exp3A, %reduce_sum3A [1] : vector<512x8xf32> to vector<512xf32>
    %broadcast_in_dim3A_50 = vector.shape_cast %reduce_sum3A_49 : vector<512xf32> to vector<512x1xf32>
    %div3A = vector.broadcast %broadcast_in_dim3A_50 : vector<512x1xf32> to vector<512x8xf32>
    %div3A_51 = arith.divf %exp3A, %div3A : vector<512x8xf32>
    %iota3A = tpu.iota {dimensions = array<i32: 1>} : vector<512x8xi32>
    %reduce_max3A_52 = arith.constant dense<0xFF800000> : vector<512xf32>
    %reduce_max3A_53 = vector.multi_reduction <maximumf>, %div3A_51, %reduce_max3A_52 [1] : vector<512x8xf32> to vector<512xf32>
    %broadcast_in_dim3A_54 = vector.shape_cast %reduce_max3A_53 : vector<512xf32> to vector<512x1xf32>
    %ge3A = vector.broadcast %broadcast_in_dim3A_54 : vector<512x1xf32> to vector<512x8xf32>
    %ge3A_55 = arith.cmpf oge, %div3A_51, %ge3A : vector<512x8xf32>
    %jit3A = arith.constant 8 : i32
    %broadcast_in_dim3A_56 = vector.broadcast %jit3A : i32 to vector<512x8xi32>
    %select_n3A = arith.select %ge3A_55, %iota3A, %broadcast_in_dim3A_56 : vector<512x8xi1>, vector<512x8xi32>
    %reduce_min3A = arith.constant dense<2147483647> : vector<512xi32>
    %reduce_min3A_57 = vector.multi_reduction <minsi>, %select_n3A, %reduce_min3A [1] : vector<512x8xi32> to vector<512xi32>
    %broadcast_in_dim3A_58 = vector.shape_cast %reduce_min3A_57 : vector<512xi32> to vector<512x1xi32>
    %eq3A = vector.broadcast %broadcast_in_dim3A_58 : vector<512x1xi32> to vector<512x8xi32>
    %eq3A_59 = arith.cmpi eq, %iota3A, %eq3A : vector<512x8xi32>
    %jit3A_60 = arith.constant -1.000000e+00 : f32
    %broadcast_in_dim3A_61 = vector.broadcast %jit3A_60 : f32 to vector<512x8xf32>
    %select_n3A_62 = arith.select %eq3A_59, %broadcast_in_dim3A_61, %div3A_51 : vector<512x8xi1>, vector<512x8xf32>
    %reduce_max3A_63 = arith.constant dense<0xFF800000> : vector<512xf32>
    %reduce_max3A_64 = vector.multi_reduction <maximumf>, %select_n3A_62, %reduce_max3A_63 [1] : vector<512x8xf32> to vector<512xf32>
    %broadcast_in_dim3A_65 = vector.shape_cast %reduce_max3A_64 : vector<512xf32> to vector<512x1xf32>
    %ge3A_66 = vector.broadcast %broadcast_in_dim3A_65 : vector<512x1xf32> to vector<512x8xf32>
    %ge3A_67 = arith.cmpf oge, %select_n3A_62, %ge3A_66 : vector<512x8xf32>
    %jit3A_68 = arith.constant 8 : i32
    %broadcast_in_dim3A_69 = vector.broadcast %jit3A_68 : i32 to vector<512x8xi32>
    %select_n3A_70 = arith.select %ge3A_67, %iota3A, %broadcast_in_dim3A_69 : vector<512x8xi1>, vector<512x8xi32>
    %reduce_min3A_71 = arith.constant dense<2147483647> : vector<512xi32>
    %reduce_min3A_72 = vector.multi_reduction <minsi>, %select_n3A_70, %reduce_min3A_71 [1] : vector<512x8xi32> to vector<512xi32>
    %broadcast_in_dim3A_73 = vector.shape_cast %reduce_min3A_72 : vector<512xi32> to vector<512x1xi32>
    %eq3A_74 = vector.broadcast %broadcast_in_dim3A_73 : vector<512x1xi32> to vector<512x8xi32>
    %eq3A_75 = arith.cmpi eq, %iota3A, %eq3A_74 : vector<512x8xi32>
    %sub3A_76 = arith.subf %broadcast_in_dim3A_65, %broadcast_in_dim3A_54 : vector<512x1xf32>
    %exp3A_77 = math.exp %sub3A_76 : vector<512x1xf32>
    %add3A_78 = arith.constant 1.000000e+00 : f32
    %add3A_79 = vector.broadcast %add3A_78 : f32 to vector<512x1xf32>
    %add3A_80 = arith.addf %add3A_79, %exp3A_77 : vector<512x1xf32>
    %div3A_81 = arith.constant 1.000000e+00 : f32
    %div3A_82 = vector.broadcast %div3A_81 : f32 to vector<512x1xf32>
    %div3A_83 = arith.divf %div3A_82, %add3A_80 : vector<512x1xf32>
    %mul3A_84 = arith.mulf %exp3A_77, %div3A_83 : vector<512x1xf32>
    %convert_element_type3A_85 = arith.extui %eq3A_59 : vector<512x8xi1> to vector<512x8xi32>
    %convert_element_type3A_86 = arith.sitofp %convert_element_type3A_85 : vector<512x8xi32> to vector<512x8xf32>
    %mul3A_87 = vector.broadcast %div3A_83 : vector<512x1xf32> to vector<512x8xf32>
    %mul3A_88 = arith.mulf %mul3A_87, %convert_element_type3A_86 : vector<512x8xf32>
    %convert_element_type3A_89 = arith.extui %eq3A_75 : vector<512x8xi1> to vector<512x8xi32>
    %convert_element_type3A_90 = arith.sitofp %convert_element_type3A_89 : vector<512x8xi32> to vector<512x8xf32>
    %mul3A_91 = vector.broadcast %mul3A_84 : vector<512x1xf32> to vector<512x8xf32>
    %mul3A_92 = arith.mulf %mul3A_91, %convert_element_type3A_90 : vector<512x8xf32>
    %add3A_93 = arith.addf %mul3A_88, %mul3A_92 : vector<512x8xf32>
    %broadcast_in_dim3A_94 = vector.shape_cast %div3A_83 : vector<512x1xf32> to vector<512x1xf32>
    %broadcast_in_dim3A_95 = vector.broadcast %broadcast_in_dim3A_94 : vector<512x1xf32> to vector<512x4xf32>
    %broadcast_in_dim3A_96 = vector.shape_cast %mul3A_84 : vector<512x1xf32> to vector<512x1xf32>
    %broadcast_in_dim3A_97 = vector.broadcast %broadcast_in_dim3A_96 : vector<512x1xf32> to vector<512x4xf32>
    %concatenate3A = tpu.concatenate %add3A_93, %broadcast_in_dim3A_95, %broadcast_in_dim3A_97 in 1 : vector<512x8xf32>, vector<512x4xf32>, vector<512x4xf32> -> vector<512x16xf32>
    %swap3A_98 = arith.constant 0 : index
    %swap3A_99 = arith.constant 0 : index
    %swap3A_100 = vector.load %arg14[%swap3A_98, %swap3A_99] : memref<512x16xf32, #tpu.memory_space<vmem>>, vector<512x16xf32>
    tpu.vector_store %arg14[%swap3A_98, %swap3A_99], %concatenate3A {strides = array<i32>} : memref<512x16xf32, #tpu.memory_space<vmem>>, vector<512x16xf32>,
    %convert_element_type3A_101 = arith.extui %eq3A_59 : vector<512x8xi1> to vector<512x8xi32>
    %convert_element_type3A_102 = arith.sitofp %convert_element_type3A_101 : vector<512x8xi32> to vector<512x8xf32>
    %reduce_max3A_103 = arith.constant dense<0xFF800000> : vector<8xf32>
    %reduce_max3A_104 = vector.multi_reduction <maximumf>, %convert_element_type3A_102, %reduce_max3A_103 [0] : vector<512x8xf32> to vector<8xf32>
    %broadcast_in_dim3A_105 = vector.shape_cast %reduce_max3A_104 : vector<8xf32> to vector<1x8xf32>
    %convert_element_type3A_106 = arith.extui %eq3A_75 : vector<512x8xi1> to vector<512x8xi32>
    %convert_element_type3A_107 = arith.sitofp %convert_element_type3A_106 : vector<512x8xi32> to vector<512x8xf32>
    %reduce_max3A_108 = arith.constant dense<0xFF800000> : vector<8xf32>
    %reduce_max3A_109 = vector.multi_reduction <maximumf>, %convert_element_type3A_107, %reduce_max3A_108 [0] : vector<512x8xf32> to vector<8xf32>
    %broadcast_in_dim3A_110 = vector.shape_cast %reduce_max3A_109 : vector<8xf32> to vector<1x8xf32>
    %concatenate3A_111 = tpu.concatenate %broadcast_in_dim3A_105, %broadcast_in_dim3A_110 in 1 : vector<1x8xf32>, vector<1x8xf32> -> vector<1x16xf32>
    %broadcast_in_dim3A_112 = vector.shape_cast %concatenate3A_111 : vector<1x16xf32> to vector<1x16xf32>
    %broadcast_in_dim3A_113 = vector.broadcast %broadcast_in_dim3A_112 : vector<1x16xf32> to vector<8x16xf32>
    %eq3A_114 = arith.constant 0 : i32
    %eq3A_115 = arith.cmpi eq, %arg0, %eq3A_114 : i32
    %convert_element_type3A_116 = arith.extui %eq3A_115 : i1 to i32
    %cond3A = arith.constant 0 : i32
    %cond3A_117 = arith.cmpi ne, %convert_element_type3A_116, %cond3A : i32
    scf.if %cond3A_117 {
      %swap3A_183 = arith.constant 0 : index
      %swap3A_184 = arith.constant 0 : index
      %swap3A_185 = vector.load %arg15[%swap3A_183, %swap3A_184] : memref<8x16xf32, #tpu.memory_space<vmem>>, vector<8x16xf32>
      tpu.vector_store %arg15[%swap3A_183, %swap3A_184], %broadcast_in_dim3A_113 {strides = array<i32>} : memref<8x16xf32, #tpu.memory_space<vmem>>, vector<8x16xf32>,
    } else {
    }
    %gt3A = arith.constant 0 : i32
    %gt3A_118 = arith.cmpi sgt, %arg0, %gt3A : i32
    %convert_element_type3A_119 = arith.extui %gt3A_118 : i1 to i32
    %cond3A_120 = arith.constant 0 : i32
    %cond3A_121 = arith.cmpi ne, %convert_element_type3A_119, %cond3A_120 : i32
    scf.if %cond3A_121 {
      %get3A_183 = arith.constant 0 : index
      %get3A_184 = arith.constant 0 : index
      %get3A_185 = vector.load %arg15[%get3A_183, %get3A_184] : memref<8x16xf32, #tpu.memory_space<vmem>>, vector<8x16xf32>
      %max3A = arith.maximumf %get3A_185, %broadcast_in_dim3A_113 : vector<8x16xf32>
      %swap3A_186 = arith.constant 0 : index
      %swap3A_187 = arith.constant 0 : index
      %swap3A_188 = vector.load %arg15[%swap3A_186, %swap3A_187] : memref<8x16xf32, #tpu.memory_space<vmem>>, vector<8x16xf32>
      tpu.vector_store %arg15[%swap3A_186, %swap3A_187], %max3A {strides = array<i32>} : memref<8x16xf32, #tpu.memory_space<vmem>>, vector<8x16xf32>,
    } else {
    }
    %mul3A_122 = arith.constant 5.000000e-01 : f32
    %mul3A_123 = vector.broadcast %mul3A_122 : f32 to vector<512x1024xf32>
    %mul3A_124 = arith.mulf %get3A_1, %mul3A_123 : vector<512x1024xf32>
    %mul3A_125 = arith.constant 0.707106769 : f32
    %mul3A_126 = vector.broadcast %mul3A_125 : f32 to vector<512x1024xf32>
    %mul3A_127 = arith.mulf %get3A_1, %mul3A_126 : vector<512x1024xf32>
    %erf3A_128 = math.erf %mul3A_127 : vector<512x1024xf32>
    %add3A_129 = arith.constant 1.000000e+00 : f32
    %add3A_130 = vector.broadcast %add3A_129 : f32 to vector<512x1024xf32>
    %add3A_131 = arith.addf %add3A_130, %erf3A_128 : vector<512x1024xf32>
    %mul3A_132 = arith.mulf %mul3A_124, %add3A_131 : vector<512x1024xf32>
    %convert_element_type3A_133 = arith.truncf %mul3A_132 : vector<512x1024xf32> to vector<512x1024xbf16>
    %get3A_134 = arith.constant 0 : index
    %get3A_135 = arith.constant 0 : index
    %get3A_136 = vector.load %arg6[%get3A_134, %get3A_135] : memref<1024x1024xbf16, #tpu.memory_space<vmem>>, vector<1024x1024xbf16>
    %dot_general3A_137 = arith.constant dense<0.000000e+00> : vector<512x1024xf32>
    %dot_general3A_138 = tpu.matmul %convert_element_type3A_133, %get3A_136, %dot_general3A_137 {dimension_numbers = #tpu.dot_dimension_numbers<[1], [1], [0], [0], [0, 0, 1, 0], [], []>, transpose_lhs_hint = false} : vector<512x1024xbf16>, vector<1024x1024xbf16>, vector<512x1024xf32> -> vector<512x1024xf32>
    %get3A_139 = arith.constant 0 : index
    %get3A_140 = arith.constant 0 : index
    %get3A_141 = vector.load %arg10[%get3A_139, %get3A_140] : memref<1x1024xf32, #tpu.memory_space<vmem>>, vector<1x1024xf32>
    %add3A_142 = vector.broadcast %get3A_141 : vector<1x1024xf32> to vector<512x1024xf32>
    %add3A_143 = arith.addf %dot_general3A_138, %add3A_142 : vector<512x1024xf32>
    %swap3A_144 = arith.constant 0 : index
    %swap3A_145 = arith.constant 0 : index
    %swap3A_146 = vector.load %arg17[%swap3A_144, %swap3A_145] : memref<512x1024xf32, #tpu.memory_space<vmem>>, vector<512x1024xf32>
    tpu.vector_store %arg17[%swap3A_144, %swap3A_145], %add3A_143 {strides = array<i32>} : memref<512x1024xf32, #tpu.memory_space<vmem>>, vector<512x1024xf32>,
    %get3A_147 = arith.constant 0 : index
    %get3A_148 = arith.constant 0 : index
    %get3A_149 = vector.load %arg7[%get3A_147, %get3A_148] : memref<512x512xbf16, #tpu.memory_space<vmem>>, vector<512x512xbf16>
    %dot_general3A_150 = arith.constant dense<0.000000e+00> : vector<512x512xf32>
    %dot_general3A_151 = tpu.matmul %convert_element_type3A_21, %get3A_149, %dot_general3A_150 {dimension_numbers = #tpu.dot_dimension_numbers<[1], [1], [0], [0], [0, 0, 1, 0], [], []>, transpose_lhs_hint = false} : vector<512x512xbf16>, vector<512x512xbf16>, vector<512x512xf32> -> vector<512x512xf32>
    %get3A_152 = arith.constant 0 : index
    %get3A_153 = arith.constant 0 : index
    %get3A_154 = vector.load %arg11[%get3A_152, %get3A_153] : memref<1x512xf32, #tpu.memory_space<vmem>>, vector<1x512xf32>
    %add3A_155 = vector.broadcast %get3A_154 : vector<1x512xf32> to vector<512x512xf32>
    %add3A_156 = arith.addf %dot_general3A_151, %add3A_155 : vector<512x512xf32>
    %mul3A_157 = arith.constant 5.000000e-01 : f32
    %mul3A_158 = vector.broadcast %mul3A_157 : f32 to vector<512x512xf32>
    %mul3A_159 = arith.mulf %add3A_156, %mul3A_158 : vector<512x512xf32>
    %mul3A_160 = arith.constant 0.707106769 : f32
    %mul3A_161 = vector.broadcast %mul3A_160 : f32 to vector<512x512xf32>
    %mul3A_162 = arith.mulf %add3A_156, %mul3A_161 : vector<512x512xf32>
    %erf3A_163 = math.erf %mul3A_162 : vector<512x512xf32>
    %add3A_164 = arith.constant 1.000000e+00 : f32
    %add3A_165 = vector.broadcast %add3A_164 : f32 to vector<512x512xf32>
    %add3A_166 = arith.addf %add3A_165, %erf3A_163 : vector<512x512xf32>
    %mul3A_167 = arith.mulf %mul3A_159, %add3A_166 : vector<512x512xf32>
    %convert_element_type3A_168 = arith.truncf %mul3A_167 : vector<512x512xf32> to vector<512x512xbf16>
    %get3A_169 = arith.constant 0 : index
    %get3A_170 = arith.constant 0 : index
    %get3A_171 = vector.load %arg8[%get3A_169, %get3A_170] : memref<512x512xbf16, #tpu.memory_space<vmem>>, vector<512x512xbf16>
    %dot_general3A_172 = arith.constant dense<0.000000e+00> : vector<512x512xf32>
    %dot_general3A_173 = tpu.matmul %convert_element_type3A_168, %get3A_171, %dot_general3A_172 {dimension_numbers = #tpu.dot_dimension_numbers<[1], [1], [0], [0], [0, 0, 1, 0], [], []>, transpose_lhs_hint = false} : vector<512x512xbf16>, vector<512x512xbf16>, vector<512x512xf32> -> vector<512x512xf32>
    %get3A_174 = arith.constant 0 : index
    %get3A_175 = arith.constant 0 : index
    %get3A_176 = vector.load %arg12[%get3A_174, %get3A_175] : memref<1x512xf32, #tpu.memory_space<vmem>>, vector<1x512xf32>
    %add3A_177 = vector.broadcast %get3A_176 : vector<1x512xf32> to vector<512x512xf32>
    %add3A_178 = arith.addf %dot_general3A_173, %add3A_177 : vector<512x512xf32>
    %convert_element_type3A_179 = arith.truncf %add3A_178 : vector<512x512xf32> to vector<512x512xbf16>
    %swap3A_180 = arith.constant 0 : index
    %swap3A_181 = arith.constant 0 : index
    %swap3A_182 = vector.load %arg16[%swap3A_180, %swap3A_181] : memref<512x512xbf16, #tpu.memory_space<vmem>>, vector<512x512xbf16>
    tpu.vector_store %arg16[%swap3A_180, %swap3A_181], %convert_element_type3A_179 {strides = array<i32>} : memref<512x512xbf16, #tpu.memory_space<vmem>>, vector<512x512xbf16>,
    return
  }
  func.func @transform_0(%arg0: i32) -> (i32, i32) {
    %c0_i32 = arith.constant 0 : i32
    %c0_i32_0 = arith.constant 0 : i32
    return %arg0, %c0_i32 : i32, i32
  }
  func.func @transform_1(%arg0: i32) -> (i32, i32) {
    %c0_i32 = arith.constant 0 : i32
    %c0_i32_0 = arith.constant 0 : i32
    %c0_i32_1 = arith.constant 0 : i32
    return %c0_i32, %c0_i32_0 : i32, i32
  }
  func.func @transform_2(%arg0: i32) -> (i32, i32) {
    %c0_i32 = arith.constant 0 : i32
    %c0_i32_0 = arith.constant 0 : i32
    %c0_i32_1 = arith.constant 0 : i32
    return %c0_i32, %c0_i32_0 : i32, i32
  }
  func.func @transform_3(%arg0: i32) -> (i32, i32) {
    %c0_i32 = arith.constant 0 : i32
    %c0_i32_0 = arith.constant 0 : i32
    %c0_i32_1 = arith.constant 0 : i32
    return %c0_i32, %c0_i32_0 : i32, i32
  }
  func.func @transform_4(%arg0: i32) -> (i32, i32) {
    %c0_i32 = arith.constant 0 : i32
    %c0_i32_0 = arith.constant 0 : i32
    %c0_i32_1 = arith.constant 0 : i32
    return %c0_i32, %c0_i32_0 : i32, i32
  }
  func.func @transform_5(%arg0: i32) -> (i32, i32) {
    %c0_i32 = arith.constant 0 : i32
    %c0_i32_0 = arith.constant 0 : i32
    %c0_i32_1 = arith.constant 0 : i32
    return %c0_i32, %c0_i32_0 : i32, i32
  }
  func.func @transform_6(%arg0: i32) -> (i32, i32) {
    %c0_i32 = arith.constant 0 : i32
    %c0_i32_0 = arith.constant 0 : i32
    %c0_i32_1 = arith.constant 0 : i32
    return %c0_i32, %c0_i32_0 : i32, i32
  }
  func.func @transform_7(%arg0: i32) -> (i32, i32) {
    %c0_i32 = arith.constant 0 : i32
    %c0_i32_0 = arith.constant 0 : i32
    %c0_i32_1 = arith.constant 0 : i32
    return %c0_i32, %c0_i32_0 : i32, i32
  }
  func.func @transform_8(%arg0: i32) -> (i32, i32) {
    %c0_i32 = arith.constant 0 : i32
    %c0_i32_0 = arith.constant 0 : i32
    %c0_i32_1 = arith.constant 0 : i32
    return %c0_i32, %c0_i32_0 : i32, i32
  }
  func.func @transform_9(%arg0: i32) -> (i32, i32) {
    %c0_i32 = arith.constant 0 : i32
    %c0_i32_0 = arith.constant 0 : i32
    %c0_i32_1 = arith.constant 0 : i32
    return %c0_i32, %c0_i32_0 : i32, i32
  }
  func.func @transform_10(%arg0: i32) -> (i32, i32) {
    %c0_i32 = arith.constant 0 : i32
    %c0_i32_0 = arith.constant 0 : i32
    %c0_i32_1 = arith.constant 0 : i32
    return %c0_i32, %c0_i32_0 : i32, i32
  }
  func.func @transform_11(%arg0: i32) -> (i32, i32) {
    %c0_i32 = arith.constant 0 : i32
    %c0_i32_0 = arith.constant 0 : i32
    %c0_i32_1 = arith.constant 0 : i32
    return %c0_i32, %c0_i32_0 : i32, i32
  }
  func.func @transform_12(%arg0: i32) -> (i32, i32) {
    %c0_i32 = arith.constant 0 : i32
    %c0_i32_0 = arith.constant 0 : i32
    return %arg0, %c0_i32 : i32, i32
  }
  func.func @transform_13(%arg0: i32) -> (i32, i32) {
    %c0_i32 = arith.constant 0 : i32
    %c0_i32_0 = arith.constant 0 : i32
    return %arg0, %c0_i32 : i32, i32
  }
  func.func @transform_14(%arg0: i32) -> (i32, i32) {
    %c0_i32 = arith.constant 0 : i32
    %c0_i32_0 = arith.constant 0 : i32
    %c0_i32_1 = arith.constant 0 : i32
    return %c0_i32, %c0_i32_0 : i32, i32
  }
  func.func @transform_15(%arg0: i32) -> (i32, i32) {
    %c0_i32 = arith.constant 0 : i32
    %c0_i32_0 = arith.constant 0 : i32
    return %arg0, %c0_i32 : i32, i32
  }
  func.func @transform_16(%arg0: i32) -> (i32, i32) {
    %c0_i32 = arith.constant 0 : i32
    %c0_i32_0 = arith.constant 0 : i32
    return %arg0, %c0_i32 : i32, i32
  }
}

module attributes {stable_mosaic.version = 14 : i64} {
  func.func @_routing_body(%arg0: i32, %arg1: memref<2048x16xf32, #tpu.memory_space<vmem>>, %arg2: memref<2048x8xf32, #tpu.memory_space<vmem>>, %arg3: memref<8x64xf32, #tpu.memory_space<vmem>>) attributes {dimension_semantics = [#tpu.dimension_semantics<arbitrary>], iteration_bounds = array<i64: 1>, scalar_prefetch = 0 : i64, scratch_operands = 0 : i64, tpu.core_type = #tpu.core_type<tc>, window_params = [{pipeline_mode = #tpu.pipeline_mode<synchronous>, transform_indices = @transform_0, window_bounds = array<i64: 2048, 16>}, {pipeline_mode = #tpu.pipeline_mode<synchronous>, transform_indices = @transform_1, window_bounds = array<i64: 2048, 8>}, {pipeline_mode = #tpu.pipeline_mode<synchronous>, transform_indices = @transform_2, window_bounds = array<i64: 8, 64>}]} {
    %get3A = arith.constant 0 : index
    %get3A_0 = arith.constant 0 : index
    %get3A_1 = vector.load %arg1[%get3A, %get3A_0] : memref<2048x16xf32, #tpu.memory_space<vmem>>, vector<2048x8xf32>
    %gt3A = arith.constant 0.000000e+00 : f32
    %gt3A_2 = vector.broadcast %gt3A : f32 to vector<2048x8xf32>
    %gt3A_3 = arith.cmpf ogt, %get3A_1, %gt3A_2 : vector<2048x8xf32>
    %convert_element_type3A = arith.extui %gt3A_3 : vector<2048x8xi1> to vector<2048x8xi32>
    %convert_element_type3A_4 = arith.sitofp %convert_element_type3A : vector<2048x8xi32> to vector<2048x8xf32>
    %iota3A = tpu.iota {dimensions = array<i32: 1>} : vector<2048x8xi32>
    %gt3A_5 = arith.constant 5.000000e-01 : f32
    %gt3A_6 = vector.broadcast %gt3A_5 : f32 to vector<2048x8xf32>
    %gt3A_7 = arith.cmpf ogt, %convert_element_type3A_4, %gt3A_6 : vector<2048x8xf32>
    %jit3A = arith.constant 8 : i32
    %broadcast_in_dim3A = vector.broadcast %jit3A : i32 to vector<2048x8xi32>
    %select_n3A = arith.select %gt3A_7, %iota3A, %broadcast_in_dim3A : vector<2048x8xi1>, vector<2048x8xi32>
    %reduce_min3A = arith.constant dense<2147483647> : vector<2048xi32>
    %reduce_min3A_8 = vector.multi_reduction <minsi>, %select_n3A, %reduce_min3A [1] : vector<2048x8xi32> to vector<2048xi32>
    %broadcast_in_dim3A_9 = vector.shape_cast %reduce_min3A_8 : vector<2048xi32> to vector<2048x1xi32>
    %eq3A = vector.broadcast %broadcast_in_dim3A_9 : vector<2048x1xi32> to vector<2048x8xi32>
    %eq3A_10 = arith.cmpi eq, %iota3A, %eq3A : vector<2048x8xi32>
    %jit3A_11 = arith.constant 0.000000e+00 : f32
    %broadcast_in_dim3A_12 = vector.broadcast %jit3A_11 : f32 to vector<2048x8xf32>
    %select_n3A_13 = arith.select %eq3A_10, %broadcast_in_dim3A_12, %convert_element_type3A_4 : vector<2048x8xi1>, vector<2048x8xf32>
    %gt3A_14 = arith.constant 5.000000e-01 : f32
    %gt3A_15 = vector.broadcast %gt3A_14 : f32 to vector<2048x8xf32>
    %gt3A_16 = arith.cmpf ogt, %select_n3A_13, %gt3A_15 : vector<2048x8xf32>
    %jit3A_17 = arith.constant 8 : i32
    %broadcast_in_dim3A_18 = vector.broadcast %jit3A_17 : i32 to vector<2048x8xi32>
    %select_n3A_19 = arith.select %gt3A_16, %iota3A, %broadcast_in_dim3A_18 : vector<2048x8xi1>, vector<2048x8xi32>
    %reduce_min3A_20 = arith.constant dense<2147483647> : vector<2048xi32>
    %reduce_min3A_21 = vector.multi_reduction <minsi>, %select_n3A_19, %reduce_min3A_20 [1] : vector<2048x8xi32> to vector<2048xi32>
    %broadcast_in_dim3A_22 = vector.shape_cast %reduce_min3A_21 : vector<2048xi32> to vector<2048x1xi32>
    %eq3A_23 = vector.broadcast %broadcast_in_dim3A_22 : vector<2048x1xi32> to vector<2048x8xi32>
    %eq3A_24 = arith.cmpi eq, %iota3A, %eq3A_23 : vector<2048x8xi32>
    %convert_element_type3A_25 = arith.extui %eq3A_10 : vector<2048x8xi1> to vector<2048x8xi32>
    %convert_element_type3A_26 = arith.sitofp %convert_element_type3A_25 : vector<2048x8xi32> to vector<2048x8xf32>
    %convert_element_type3A_27 = arith.extui %eq3A_24 : vector<2048x8xi1> to vector<2048x8xi32>
    %convert_element_type3A_28 = arith.sitofp %convert_element_type3A_27 : vector<2048x8xi32> to vector<2048x8xf32>
    %mul3A = arith.mulf %get3A_1, %convert_element_type3A_26 : vector<2048x8xf32>
    %reduce_sum3A = arith.constant dense<0.000000e+00> : vector<2048xf32>
    %reduce_sum3A_29 = vector.multi_reduction <add>, %mul3A, %reduce_sum3A [1] : vector<2048x8xf32> to vector<2048xf32>
    %broadcast_in_dim3A_30 = vector.shape_cast %reduce_sum3A_29 : vector<2048xf32> to vector<2048x1xf32>
    %mul3A_31 = arith.mulf %get3A_1, %convert_element_type3A_28 : vector<2048x8xf32>
    %reduce_sum3A_32 = arith.constant dense<0.000000e+00> : vector<2048xf32>
    %reduce_sum3A_33 = vector.multi_reduction <add>, %mul3A_31, %reduce_sum3A_32 [1] : vector<2048x8xf32> to vector<2048xf32>
    %broadcast_in_dim3A_34 = vector.shape_cast %reduce_sum3A_33 : vector<2048xf32> to vector<2048x1xf32>
    %broadcast_in_dim3A_35 = arith.constant 0.000000e+00 : f32
    %broadcast_in_dim3A_36 = vector.broadcast %broadcast_in_dim3A_35 : f32 to vector<1x8xf32>
    %slice3A = vector.extract_strided_slice %convert_element_type3A_4 {offsets = [0, 0], sizes = [2047, 8], strides = [1, 1]} : vector<2048x8xf32> to vector<2047x8xf32>
    %concatenate3A = tpu.concatenate %broadcast_in_dim3A_36, %slice3A in 0 : vector<1x8xf32>, vector<2047x8xf32> -> vector<2048x8xf32>
    %add3A = arith.addf %convert_element_type3A_4, %concatenate3A : vector<2048x8xf32>
    %broadcast_in_dim3A_37 = arith.constant 0.000000e+00 : f32
    %broadcast_in_dim3A_38 = vector.broadcast %broadcast_in_dim3A_37 : f32 to vector<2x8xf32>
    %slice3A_39 = vector.extract_strided_slice %add3A {offsets = [0, 0], sizes = [2046, 8], strides = [1, 1]} : vector<2048x8xf32> to vector<2046x8xf32>
    %concatenate3A_40 = tpu.concatenate %broadcast_in_dim3A_38, %slice3A_39 in 0 : vector<2x8xf32>, vector<2046x8xf32> -> vector<2048x8xf32>
    %add3A_41 = arith.addf %add3A, %concatenate3A_40 : vector<2048x8xf32>
    %broadcast_in_dim3A_42 = arith.constant 0.000000e+00 : f32
    %broadcast_in_dim3A_43 = vector.broadcast %broadcast_in_dim3A_42 : f32 to vector<4x8xf32>
    %slice3A_44 = vector.extract_strided_slice %add3A_41 {offsets = [0, 0], sizes = [2044, 8], strides = [1, 1]} : vector<2048x8xf32> to vector<2044x8xf32>
    %concatenate3A_45 = tpu.concatenate %broadcast_in_dim3A_43, %slice3A_44 in 0 : vector<4x8xf32>, vector<2044x8xf32> -> vector<2048x8xf32>
    %add3A_46 = arith.addf %add3A_41, %concatenate3A_45 : vector<2048x8xf32>
    %broadcast_in_dim3A_47 = arith.constant 0.000000e+00 : f32
    %broadcast_in_dim3A_48 = vector.broadcast %broadcast_in_dim3A_47 : f32 to vector<8x8xf32>
    %slice3A_49 = vector.extract_strided_slice %add3A_46 {offsets = [0, 0], sizes = [2040, 8], strides = [1, 1]} : vector<2048x8xf32> to vector<2040x8xf32>
    %concatenate3A_50 = tpu.concatenate %broadcast_in_dim3A_48, %slice3A_49 in 0 : vector<8x8xf32>, vector<2040x8xf32> -> vector<2048x8xf32>
    %add3A_51 = arith.addf %add3A_46, %concatenate3A_50 : vector<2048x8xf32>
    %broadcast_in_dim3A_52 = arith.constant 0.000000e+00 : f32
    %broadcast_in_dim3A_53 = vector.broadcast %broadcast_in_dim3A_52 : f32 to vector<16x8xf32>
    %slice3A_54 = vector.extract_strided_slice %add3A_51 {offsets = [0, 0], sizes = [2032, 8], strides = [1, 1]} : vector<2048x8xf32> to vector<2032x8xf32>
    %concatenate3A_55 = tpu.concatenate %broadcast_in_dim3A_53, %slice3A_54 in 0 : vector<16x8xf32>, vector<2032x8xf32> -> vector<2048x8xf32>
    %add3A_56 = arith.addf %add3A_51, %concatenate3A_55 : vector<2048x8xf32>
    %broadcast_in_dim3A_57 = arith.constant 0.000000e+00 : f32
    %broadcast_in_dim3A_58 = vector.broadcast %broadcast_in_dim3A_57 : f32 to vector<32x8xf32>
    %slice3A_59 = vector.extract_strided_slice %add3A_56 {offsets = [0, 0], sizes = [2016, 8], strides = [1, 1]} : vector<2048x8xf32> to vector<2016x8xf32>
    %concatenate3A_60 = tpu.concatenate %broadcast_in_dim3A_58, %slice3A_59 in 0 : vector<32x8xf32>, vector<2016x8xf32> -> vector<2048x8xf32>
    %add3A_61 = arith.addf %add3A_56, %concatenate3A_60 : vector<2048x8xf32>
    %broadcast_in_dim3A_62 = arith.constant 0.000000e+00 : f32
    %broadcast_in_dim3A_63 = vector.broadcast %broadcast_in_dim3A_62 : f32 to vector<64x8xf32>
    %slice3A_64 = vector.extract_strided_slice %add3A_61 {offsets = [0, 0], sizes = [1984, 8], strides = [1, 1]} : vector<2048x8xf32> to vector<1984x8xf32>
    %concatenate3A_65 = tpu.concatenate %broadcast_in_dim3A_63, %slice3A_64 in 0 : vector<64x8xf32>, vector<1984x8xf32> -> vector<2048x8xf32>
    %add3A_66 = arith.addf %add3A_61, %concatenate3A_65 : vector<2048x8xf32>
    %broadcast_in_dim3A_67 = arith.constant 0.000000e+00 : f32
    %broadcast_in_dim3A_68 = vector.broadcast %broadcast_in_dim3A_67 : f32 to vector<128x8xf32>
    %slice3A_69 = vector.extract_strided_slice %add3A_66 {offsets = [0, 0], sizes = [1920, 8], strides = [1, 1]} : vector<2048x8xf32> to vector<1920x8xf32>
    %concatenate3A_70 = tpu.concatenate %broadcast_in_dim3A_68, %slice3A_69 in 0 : vector<128x8xf32>, vector<1920x8xf32> -> vector<2048x8xf32>
    %add3A_71 = arith.addf %add3A_66, %concatenate3A_70 : vector<2048x8xf32>
    %broadcast_in_dim3A_72 = arith.constant 0.000000e+00 : f32
    %broadcast_in_dim3A_73 = vector.broadcast %broadcast_in_dim3A_72 : f32 to vector<256x8xf32>
    %slice3A_74 = vector.extract_strided_slice %add3A_71 {offsets = [0, 0], sizes = [1792, 8], strides = [1, 1]} : vector<2048x8xf32> to vector<1792x8xf32>
    %concatenate3A_75 = tpu.concatenate %broadcast_in_dim3A_73, %slice3A_74 in 0 : vector<256x8xf32>, vector<1792x8xf32> -> vector<2048x8xf32>
    %add3A_76 = arith.addf %add3A_71, %concatenate3A_75 : vector<2048x8xf32>
    %broadcast_in_dim3A_77 = arith.constant 0.000000e+00 : f32
    %broadcast_in_dim3A_78 = vector.broadcast %broadcast_in_dim3A_77 : f32 to vector<512x8xf32>
    %slice3A_79 = vector.extract_strided_slice %add3A_76 {offsets = [0, 0], sizes = [1536, 8], strides = [1, 1]} : vector<2048x8xf32> to vector<1536x8xf32>
    %concatenate3A_80 = tpu.concatenate %broadcast_in_dim3A_78, %slice3A_79 in 0 : vector<512x8xf32>, vector<1536x8xf32> -> vector<2048x8xf32>
    %add3A_81 = arith.addf %add3A_76, %concatenate3A_80 : vector<2048x8xf32>
    %broadcast_in_dim3A_82 = arith.constant 0.000000e+00 : f32
    %broadcast_in_dim3A_83 = vector.broadcast %broadcast_in_dim3A_82 : f32 to vector<1024x8xf32>
    %slice3A_84 = vector.extract_strided_slice %add3A_81 {offsets = [0, 0], sizes = [1024, 8], strides = [1, 1]} : vector<2048x8xf32> to vector<1024x8xf32>
    %concatenate3A_85 = tpu.concatenate %broadcast_in_dim3A_83, %slice3A_84 in 0 : vector<1024x8xf32>, vector<1024x8xf32> -> vector<2048x8xf32>
    %add3A_86 = arith.addf %add3A_81, %concatenate3A_85 : vector<2048x8xf32>
    %sub3A = arith.subf %add3A_86, %convert_element_type3A_4 : vector<2048x8xf32>
    %slice3A_87 = vector.extract_strided_slice %add3A_86 {offsets = [2047, 0], sizes = [1, 8], strides = [1, 1]} : vector<2048x8xf32> to vector<1x8xf32>
    %add3A_88 = arith.constant 1.270000e+02 : f32
    %add3A_89 = vector.broadcast %add3A_88 : f32 to vector<1x8xf32>
    %add3A_90 = arith.addf %slice3A_87, %add3A_89 : vector<1x8xf32>
    %mul3A_91 = arith.constant 7.812500e-03 : f32
    %mul3A_92 = vector.broadcast %mul3A_91 : f32 to vector<1x8xf32>
    %mul3A_93 = arith.mulf %add3A_90, %mul3A_92 : vector<1x8xf32>
    %floor3A = math.floor %mul3A_93 : vector<1x8xf32>
    %iota3A_94 = tpu.iota {dimensions = array<i32: 0>} : vector<8x8xi32>
    %iota3A_95 = tpu.iota {dimensions = array<i32: 1>} : vector<8x8xi32>
    %le3A = arith.cmpi sle, %iota3A_94, %iota3A_95 : vector<8x8xi32>
    %convert_element_type3A_96 = arith.extui %le3A : vector<8x8xi1> to vector<8x8xi32>
    %convert_element_type3A_97 = arith.sitofp %convert_element_type3A_96 : vector<8x8xi32> to vector<8x8xf32>
    %dot_general3A = arith.constant dense<0.000000e+00> : vector<1x8xf32>
    %dot_general3A_98 = tpu.matmul %floor3A, %convert_element_type3A_97, %dot_general3A {dimension_numbers = #tpu.dot_dimension_numbers<[1], [0], [0], [1], [0, 0, 1, 1], [], []>, transpose_lhs_hint = false} : vector<1x8xf32>, vector<8x8xf32>, vector<1x8xf32> -> vector<1x8xf32>
    %sub3A_99 = arith.subf %dot_general3A_98, %floor3A : vector<1x8xf32>
    %mul3A_100 = arith.constant 1.280000e+02 : f32
    %mul3A_101 = vector.broadcast %mul3A_100 : f32 to vector<1x8xf32>
    %mul3A_102 = arith.mulf %sub3A_99, %mul3A_101 : vector<1x8xf32>
    %mul3A_103 = arith.mulf %sub3A, %convert_element_type3A_26 : vector<2048x8xf32>
    %reduce_sum3A_104 = arith.constant dense<0.000000e+00> : vector<2048xf32>
    %reduce_sum3A_105 = vector.multi_reduction <add>, %mul3A_103, %reduce_sum3A_104 [1] : vector<2048x8xf32> to vector<2048xf32>
    %broadcast_in_dim3A_106 = vector.shape_cast %reduce_sum3A_105 : vector<2048xf32> to vector<2048x1xf32>
    %mul3A_107 = vector.broadcast %mul3A_102 : vector<1x8xf32> to vector<2048x8xf32>
    %mul3A_108 = arith.mulf %mul3A_107, %convert_element_type3A_26 : vector<2048x8xf32>
    %reduce_sum3A_109 = arith.constant dense<0.000000e+00> : vector<2048xf32>
    %reduce_sum3A_110 = vector.multi_reduction <add>, %mul3A_108, %reduce_sum3A_109 [1] : vector<2048x8xf32> to vector<2048xf32>
    %broadcast_in_dim3A_111 = vector.shape_cast %reduce_sum3A_110 : vector<2048xf32> to vector<2048x1xf32>
    %add3A_112 = arith.addf %broadcast_in_dim3A_106, %broadcast_in_dim3A_111 : vector<2048x1xf32>
    %mul3A_113 = arith.mulf %sub3A, %convert_element_type3A_28 : vector<2048x8xf32>
    %reduce_sum3A_114 = arith.constant dense<0.000000e+00> : vector<2048xf32>
    %reduce_sum3A_115 = vector.multi_reduction <add>, %mul3A_113, %reduce_sum3A_114 [1] : vector<2048x8xf32> to vector<2048xf32>
    %broadcast_in_dim3A_116 = vector.shape_cast %reduce_sum3A_115 : vector<2048xf32> to vector<2048x1xf32>
    %mul3A_117 = vector.broadcast %mul3A_102 : vector<1x8xf32> to vector<2048x8xf32>
    %mul3A_118 = arith.mulf %mul3A_117, %convert_element_type3A_28 : vector<2048x8xf32>
    %reduce_sum3A_119 = arith.constant dense<0.000000e+00> : vector<2048xf32>
    %reduce_sum3A_120 = vector.multi_reduction <add>, %mul3A_118, %reduce_sum3A_119 [1] : vector<2048x8xf32> to vector<2048xf32>
    %broadcast_in_dim3A_121 = vector.shape_cast %reduce_sum3A_120 : vector<2048xf32> to vector<2048x1xf32>
    %add3A_122 = arith.addf %broadcast_in_dim3A_116, %broadcast_in_dim3A_121 : vector<2048x1xf32>
    %broadcast_in_dim3A_123 = arith.constant 0.000000e+00 : f32
    %broadcast_in_dim3A_124 = vector.broadcast %broadcast_in_dim3A_123 : f32 to vector<2048x4xf32>
    %concatenate3A_125 = tpu.concatenate %add3A_112, %add3A_122, %broadcast_in_dim3A_30, %broadcast_in_dim3A_34, %broadcast_in_dim3A_124 in 1 : vector<2048x1xf32>, vector<2048x1xf32>, vector<2048x1xf32>, vector<2048x1xf32>, vector<2048x4xf32> -> vector<2048x8xf32>
    %swap3A = arith.constant 0 : index
    %swap3A_126 = arith.constant 0 : index
    %swap3A_127 = vector.load %arg2[%swap3A, %swap3A_126] : memref<2048x8xf32, #tpu.memory_space<vmem>>, vector<2048x8xf32>
    tpu.vector_store %arg2[%swap3A, %swap3A_126], %concatenate3A_125 {strides = array<i32>} : memref<2048x8xf32, #tpu.memory_space<vmem>>, vector<2048x8xf32>,
    %iota3A_128 = tpu.iota {dimensions = array<i32: 1>} : vector<1x64xi32>
    %convert_element_type3A_129 = arith.sitofp %iota3A_128 : vector<1x64xi32> to vector<1x64xf32>
    %broadcast_in_dim3A_130 = arith.constant 0.000000e+00 : f32
    %broadcast_in_dim3A_131 = vector.broadcast %broadcast_in_dim3A_130 : f32 to vector<1x64xf32>
    %slice3A_132 = vector.extract_strided_slice %dot_general3A_98 {offsets = [0, 0], sizes = [1, 1], strides = [1, 1]} : vector<1x8xf32> to vector<1x1xf32>
    %ge3A = vector.broadcast %slice3A_132 : vector<1x1xf32> to vector<1x64xf32>
    %ge3A_133 = arith.cmpf oge, %convert_element_type3A_129, %ge3A : vector<1x64xf32>
    %convert_element_type3A_134 = arith.extui %ge3A_133 : vector<1x64xi1> to vector<1x64xi32>
    %convert_element_type3A_135 = arith.sitofp %convert_element_type3A_134 : vector<1x64xi32> to vector<1x64xf32>
    %add3A_136 = arith.addf %broadcast_in_dim3A_131, %convert_element_type3A_135 : vector<1x64xf32>
    %slice3A_137 = vector.extract_strided_slice %dot_general3A_98 {offsets = [0, 1], sizes = [1, 1], strides = [1, 1]} : vector<1x8xf32> to vector<1x1xf32>
    %ge3A_138 = vector.broadcast %slice3A_137 : vector<1x1xf32> to vector<1x64xf32>
    %ge3A_139 = arith.cmpf oge, %convert_element_type3A_129, %ge3A_138 : vector<1x64xf32>
    %convert_element_type3A_140 = arith.extui %ge3A_139 : vector<1x64xi1> to vector<1x64xi32>
    %convert_element_type3A_141 = arith.sitofp %convert_element_type3A_140 : vector<1x64xi32> to vector<1x64xf32>
    %add3A_142 = arith.addf %add3A_136, %convert_element_type3A_141 : vector<1x64xf32>
    %slice3A_143 = vector.extract_strided_slice %dot_general3A_98 {offsets = [0, 2], sizes = [1, 1], strides = [1, 1]} : vector<1x8xf32> to vector<1x1xf32>
    %ge3A_144 = vector.broadcast %slice3A_143 : vector<1x1xf32> to vector<1x64xf32>
    %ge3A_145 = arith.cmpf oge, %convert_element_type3A_129, %ge3A_144 : vector<1x64xf32>
    %convert_element_type3A_146 = arith.extui %ge3A_145 : vector<1x64xi1> to vector<1x64xi32>
    %convert_element_type3A_147 = arith.sitofp %convert_element_type3A_146 : vector<1x64xi32> to vector<1x64xf32>
    %add3A_148 = arith.addf %add3A_142, %convert_element_type3A_147 : vector<1x64xf32>
    %slice3A_149 = vector.extract_strided_slice %dot_general3A_98 {offsets = [0, 3], sizes = [1, 1], strides = [1, 1]} : vector<1x8xf32> to vector<1x1xf32>
    %ge3A_150 = vector.broadcast %slice3A_149 : vector<1x1xf32> to vector<1x64xf32>
    %ge3A_151 = arith.cmpf oge, %convert_element_type3A_129, %ge3A_150 : vector<1x64xf32>
    %convert_element_type3A_152 = arith.extui %ge3A_151 : vector<1x64xi1> to vector<1x64xi32>
    %convert_element_type3A_153 = arith.sitofp %convert_element_type3A_152 : vector<1x64xi32> to vector<1x64xf32>
    %add3A_154 = arith.addf %add3A_148, %convert_element_type3A_153 : vector<1x64xf32>
    %slice3A_155 = vector.extract_strided_slice %dot_general3A_98 {offsets = [0, 4], sizes = [1, 1], strides = [1, 1]} : vector<1x8xf32> to vector<1x1xf32>
    %ge3A_156 = vector.broadcast %slice3A_155 : vector<1x1xf32> to vector<1x64xf32>
    %ge3A_157 = arith.cmpf oge, %convert_element_type3A_129, %ge3A_156 : vector<1x64xf32>
    %convert_element_type3A_158 = arith.extui %ge3A_157 : vector<1x64xi1> to vector<1x64xi32>
    %convert_element_type3A_159 = arith.sitofp %convert_element_type3A_158 : vector<1x64xi32> to vector<1x64xf32>
    %add3A_160 = arith.addf %add3A_154, %convert_element_type3A_159 : vector<1x64xf32>
    %slice3A_161 = vector.extract_strided_slice %dot_general3A_98 {offsets = [0, 5], sizes = [1, 1], strides = [1, 1]} : vector<1x8xf32> to vector<1x1xf32>
    %ge3A_162 = vector.broadcast %slice3A_161 : vector<1x1xf32> to vector<1x64xf32>
    %ge3A_163 = arith.cmpf oge, %convert_element_type3A_129, %ge3A_162 : vector<1x64xf32>
    %convert_element_type3A_164 = arith.extui %ge3A_163 : vector<1x64xi1> to vector<1x64xi32>
    %convert_element_type3A_165 = arith.sitofp %convert_element_type3A_164 : vector<1x64xi32> to vector<1x64xf32>
    %add3A_166 = arith.addf %add3A_160, %convert_element_type3A_165 : vector<1x64xf32>
    %slice3A_167 = vector.extract_strided_slice %dot_general3A_98 {offsets = [0, 6], sizes = [1, 1], strides = [1, 1]} : vector<1x8xf32> to vector<1x1xf32>
    %ge3A_168 = vector.broadcast %slice3A_167 : vector<1x1xf32> to vector<1x64xf32>
    %ge3A_169 = arith.cmpf oge, %convert_element_type3A_129, %ge3A_168 : vector<1x64xf32>
    %convert_element_type3A_170 = arith.extui %ge3A_169 : vector<1x64xi1> to vector<1x64xi32>
    %convert_element_type3A_171 = arith.sitofp %convert_element_type3A_170 : vector<1x64xi32> to vector<1x64xf32>
    %add3A_172 = arith.addf %add3A_166, %convert_element_type3A_171 : vector<1x64xf32>
    %slice3A_173 = vector.extract_strided_slice %dot_general3A_98 {offsets = [0, 7], sizes = [1, 1], strides = [1, 1]} : vector<1x8xf32> to vector<1x1xf32>
    %ge3A_174 = vector.broadcast %slice3A_173 : vector<1x1xf32> to vector<1x64xf32>
    %ge3A_175 = arith.cmpf oge, %convert_element_type3A_129, %ge3A_174 : vector<1x64xf32>
    %convert_element_type3A_176 = arith.extui %ge3A_175 : vector<1x64xi1> to vector<1x64xi32>
    %convert_element_type3A_177 = arith.sitofp %convert_element_type3A_176 : vector<1x64xi32> to vector<1x64xf32>
    %add3A_178 = arith.addf %add3A_172, %convert_element_type3A_177 : vector<1x64xf32>
    %min3A = arith.constant 7.000000e+00 : f32
    %min3A_179 = vector.broadcast %min3A : f32 to vector<1x64xf32>
    %min3A_180 = arith.minimumf %add3A_178, %min3A_179 : vector<1x64xf32>
    %broadcast_in_dim3A_181 = vector.shape_cast %min3A_180 : vector<1x64xf32> to vector<1x64xf32>
    %broadcast_in_dim3A_182 = vector.broadcast %broadcast_in_dim3A_181 : vector<1x64xf32> to vector<8x64xf32>
    %swap3A_183 = arith.constant 0 : index
    %swap3A_184 = arith.constant 0 : index
    %swap3A_185 = vector.load %arg3[%swap3A_183, %swap3A_184] : memref<8x64xf32, #tpu.memory_space<vmem>>, vector<8x64xf32>
    tpu.vector_store %arg3[%swap3A_183, %swap3A_184], %broadcast_in_dim3A_182 {strides = array<i32>} : memref<8x64xf32, #tpu.memory_space<vmem>>, vector<8x64xf32>,
    return
  }
  func.func @transform_0(%arg0: i32) -> (i32, i32) {
    %c0_i32 = arith.constant 0 : i32
    %c0_i32_0 = arith.constant 0 : i32
    %c0_i32_1 = arith.constant 0 : i32
    return %c0_i32, %c0_i32_0 : i32, i32
  }
  func.func @transform_1(%arg0: i32) -> (i32, i32) {
    %c0_i32 = arith.constant 0 : i32
    %c0_i32_0 = arith.constant 0 : i32
    %c0_i32_1 = arith.constant 0 : i32
    return %c0_i32, %c0_i32_0 : i32, i32
  }
  func.func @transform_2(%arg0: i32) -> (i32, i32) {
    %c0_i32 = arith.constant 0 : i32
    %c0_i32_0 = arith.constant 0 : i32
    %c0_i32_1 = arith.constant 0 : i32
    return %c0_i32, %c0_i32_0 : i32, i32
  }
}

module attributes {stable_mosaic.version = 14 : i64} {
  func.func @_grouped_body(%arg0: i32, %arg1: memref<40xi32, #tpu.memory_space<smem>>, %arg2: memref<128x512xbf16, #tpu.memory_space<vmem>>, %arg3: memref<1024x512xbf16, #tpu.memory_space<vmem>>, %arg4: memref<2048x512xbf16, #tpu.memory_space<vmem>>, %arg5: memref<1024x512xbf16, #tpu.memory_space<vmem>>, %arg6: memref<2048x512xbf16, #tpu.memory_space<vmem>>, %arg7: memref<512x512xbf16, #tpu.memory_space<vmem>>, %arg8: memref<1024x512xbf16, #tpu.memory_space<vmem>>, %arg9: memref<2048x512xbf16, #tpu.memory_space<vmem>>, %arg10: memref<512x512xbf16, #tpu.memory_space<vmem>>, %arg11: memref<1x1024xf32, #tpu.memory_space<vmem>>, %arg12: memref<1x2048xf32, #tpu.memory_space<vmem>>, %arg13: memref<1x1024xf32, #tpu.memory_space<vmem>>, %arg14: memref<1x2048xf32, #tpu.memory_space<vmem>>, %arg15: memref<1x512xf32, #tpu.memory_space<vmem>>, %arg16: memref<1x1024xf32, #tpu.memory_space<vmem>>, %arg17: memref<1x2048xf32, #tpu.memory_space<vmem>>, %arg18: memref<1x512xf32, #tpu.memory_space<vmem>>, %arg19: memref<512x1024xbf16, #tpu.memory_space<vmem>>, %arg20: memref<512x2048xbf16, #tpu.memory_space<vmem>>, %arg21: memref<512x1024xbf16, #tpu.memory_space<vmem>>, %arg22: memref<512x2048xbf16, #tpu.memory_space<vmem>>, %arg23: memref<512x512xbf16, #tpu.memory_space<vmem>>, %arg24: memref<512x1024xbf16, #tpu.memory_space<vmem>>, %arg25: memref<512x2048xbf16, #tpu.memory_space<vmem>>, %arg26: memref<512x512xbf16, #tpu.memory_space<vmem>>, %arg27: memref<1x512xf32, #tpu.memory_space<vmem>>, %arg28: memref<1x512xf32, #tpu.memory_space<vmem>>, %arg29: memref<1x512xf32, #tpu.memory_space<vmem>>, %arg30: memref<1x512xf32, #tpu.memory_space<vmem>>, %arg31: memref<1x512xf32, #tpu.memory_space<vmem>>, %arg32: memref<1x512xf32, #tpu.memory_space<vmem>>, %arg33: memref<1x512xf32, #tpu.memory_space<vmem>>, %arg34: memref<1x512xf32, #tpu.memory_space<vmem>>, %arg35: memref<128x512xbf16, #tpu.memory_space<vmem>>) attributes {dimension_semantics = [#tpu.dimension_semantics<arbitrary>], iteration_bounds = array<i64: 40>, scalar_prefetch = 1 : i64, scratch_operands = 0 : i64, tpu.core_type = #tpu.core_type<tc>, window_params = [{transform_indices = @transform_0, window_bounds = array<i64: 128, 512>}, {pipeline_mode = #tpu.pipeline_mode<synchronous>, transform_indices = @transform_1, window_bounds = array<i64: 1024, 512>}, {pipeline_mode = #tpu.pipeline_mode<synchronous>, transform_indices = @transform_2, window_bounds = array<i64: 2048, 512>}, {pipeline_mode = #tpu.pipeline_mode<synchronous>, transform_indices = @transform_3, window_bounds = array<i64: 1024, 512>}, {pipeline_mode = #tpu.pipeline_mode<synchronous>, transform_indices = @transform_4, window_bounds = array<i64: 2048, 512>}, {pipeline_mode = #tpu.pipeline_mode<synchronous>, transform_indices = @transform_5, window_bounds = array<i64: 512, 512>}, {pipeline_mode = #tpu.pipeline_mode<synchronous>, transform_indices = @transform_6, window_bounds = array<i64: 1024, 512>}, {pipeline_mode = #tpu.pipeline_mode<synchronous>, transform_indices = @transform_7, window_bounds = array<i64: 2048, 512>}, {pipeline_mode = #tpu.pipeline_mode<synchronous>, transform_indices = @transform_8, window_bounds = array<i64: 512, 512>}, {pipeline_mode = #tpu.pipeline_mode<synchronous>, transform_indices = @transform_9, window_bounds = array<i64: 1, 1024>}, {pipeline_mode = #tpu.pipeline_mode<synchronous>, transform_indices = @transform_10, window_bounds = array<i64: 1, 2048>}, {pipeline_mode = #tpu.pipeline_mode<synchronous>, transform_indices = @transform_11, window_bounds = array<i64: 1, 1024>}, {pipeline_mode = #tpu.pipeline_mode<synchronous>, transform_indices = @transform_12, window_bounds = array<i64: 1, 2048>}, {pipeline_mode = #tpu.pipeline_mode<synchronous>, transform_indices = @transform_13, window_bounds = array<i64: 1, 512>}, {pipeline_mode = #tpu.pipeline_mode<synchronous>, transform_indices = @transform_14, window_bounds = array<i64: 1, 1024>}, {pipeline_mode = #tpu.pipeline_mode<synchronous>, transform_indices = @transform_15, window_bounds = array<i64: 1, 2048>}, {pipeline_mode = #tpu.pipeline_mode<synchronous>, transform_indices = @transform_16, window_bounds = array<i64: 1, 512>}, {pipeline_mode = #tpu.pipeline_mode<synchronous>, transform_indices = @transform_17, window_bounds = array<i64: 512, 1024>}, {pipeline_mode = #tpu.pipeline_mode<synchronous>, transform_indices = @transform_18, window_bounds = array<i64: 512, 2048>}, {pipeline_mode = #tpu.pipeline_mode<synchronous>, transform_indices = @transform_19, window_bounds = array<i64: 512, 1024>}, {pipeline_mode = #tpu.pipeline_mode<synchronous>, transform_indices = @transform_20, window_bounds = array<i64: 512, 2048>}, {pipeline_mode = #tpu.pipeline_mode<synchronous>, transform_indices = @transform_21, window_bounds = array<i64: 512, 512>}, {pipeline_mode = #tpu.pipeline_mode<synchronous>, transform_indices = @transform_22, window_bounds = array<i64: 512, 1024>}, {pipeline_mode = #tpu.pipeline_mode<synchronous>, transform_indices = @transform_23, window_bounds = array<i64: 512, 2048>}, {pipeline_mode = #tpu.pipeline_mode<synchronous>, transform_indices = @transform_24, window_bounds = array<i64: 512, 512>}, {pipeline_mode = #tpu.pipeline_mode<synchronous>, transform_indices = @transform_25, window_bounds = array<i64: 1, 512>}, {pipeline_mode = #tpu.pipeline_mode<synchronous>, transform_indices = @transform_26, window_bounds = array<i64: 1, 512>}, {pipeline_mode = #tpu.pipeline_mode<synchronous>, transform_indices = @transform_27, window_bounds = array<i64: 1, 512>}, {pipeline_mode = #tpu.pipeline_mode<synchronous>, transform_indices = @transform_28, window_bounds = array<i64: 1, 512>}, {pipeline_mode = #tpu.pipeline_mode<synchronous>, transform_indices = @transform_29, window_bounds = array<i64: 1, 512>}, {pipeline_mode = #tpu.pipeline_mode<synchronous>, transform_indices = @transform_30, window_bounds = array<i64: 1, 512>}, {pipeline_mode = #tpu.pipeline_mode<synchronous>, transform_indices = @transform_31, window_bounds = array<i64: 1, 512>}, {pipeline_mode = #tpu.pipeline_mode<synchronous>, transform_indices = @transform_32, window_bounds = array<i64: 1, 512>}, {transform_indices = @transform_33, window_bounds = array<i64: 128, 512>}]} {
    %get3A = arith.index_cast %arg0 : i32 to index
    %get3A_0 = memref.load %arg1[%get3A] : memref<40xi32, #tpu.memory_space<smem>>
    %clamp3A = arith.constant 0 : i32
    %clamp3A_1 = arith.constant 7 : i32
    %clamp3A_2 = arith.maxsi %get3A_0, %clamp3A : i32
    %clamp3A_3 = arith.minsi %clamp3A_2, %clamp3A_1 : i32
    %cond3A = arith.constant 0 : i32
    %cond3A_4 = arith.cmpi ne, %clamp3A_3, %cond3A : i32
    %cond3A_5 = scf.if %cond3A_4 -> (vector<128x512xf32>) {
      %cond3A_8 = arith.constant 1 : i32
      %cond3A_9 = arith.subi %clamp3A_3, %cond3A_8 : i32
      %cond3A_10 = arith.constant 0 : i32
      %cond3A_11 = arith.cmpi ne, %cond3A_9, %cond3A_10 : i32
      %cond3A_12 = scf.if %cond3A_11 -> (vector<128x512xf32>) {
        %cond3A_13 = arith.constant 1 : i32
        %cond3A_14 = arith.subi %cond3A_9, %cond3A_13 : i32
        %cond3A_15 = arith.constant 0 : i32
        %cond3A_16 = arith.cmpi ne, %cond3A_14, %cond3A_15 : i32
        %cond3A_17 = scf.if %cond3A_16 -> (vector<128x512xf32>) {
          %cond3A_18 = arith.constant 1 : i32
          %cond3A_19 = arith.subi %cond3A_14, %cond3A_18 : i32
          %cond3A_20 = arith.constant 0 : i32
          %cond3A_21 = arith.cmpi ne, %cond3A_19, %cond3A_20 : i32
          %cond3A_22 = scf.if %cond3A_21 -> (vector<128x512xf32>) {
            %cond3A_23 = arith.constant 1 : i32
            %cond3A_24 = arith.subi %cond3A_19, %cond3A_23 : i32
            %cond3A_25 = arith.constant 0 : i32
            %cond3A_26 = arith.cmpi ne, %cond3A_24, %cond3A_25 : i32
            %cond3A_27 = scf.if %cond3A_26 -> (vector<128x512xf32>) {
              %cond3A_28 = arith.constant 1 : i32
              %cond3A_29 = arith.subi %cond3A_24, %cond3A_28 : i32
              %cond3A_30 = arith.constant 0 : i32
              %cond3A_31 = arith.cmpi ne, %cond3A_29, %cond3A_30 : i32
              %cond3A_32 = scf.if %cond3A_31 -> (vector<128x512xf32>) {
                %cond3A_33 = arith.constant 1 : i32
                %cond3A_34 = arith.subi %cond3A_29, %cond3A_33 : i32
                %cond3A_35 = arith.constant 0 : i32
                %cond3A_36 = arith.cmpi ne, %cond3A_34, %cond3A_35 : i32
                %cond3A_37 = scf.if %cond3A_36 -> (vector<128x512xf32>) {
                  %get3A_38 = arith.constant 0 : index
                  %get3A_39 = arith.constant 0 : index
                  %get3A_40 = vector.load %arg2[%get3A_38, %get3A_39] : memref<128x512xbf16, #tpu.memory_space<vmem>>, vector<128x512xbf16>
                  %get3A_41 = arith.constant 0 : index
                  %get3A_42 = arith.constant 0 : index
                  %get3A_43 = vector.load %arg10[%get3A_41, %get3A_42] : memref<512x512xbf16, #tpu.memory_space<vmem>>, vector<512x512xbf16>
                  %dot_general3A = arith.constant dense<0.000000e+00> : vector<128x512xf32>
                  %dot_general3A_44 = tpu.matmul %get3A_40, %get3A_43, %dot_general3A {dimension_numbers = #tpu.dot_dimension_numbers<[1], [1], [0], [0], [0, 0, 1, 0], [], []>, transpose_lhs_hint = false} : vector<128x512xbf16>, vector<512x512xbf16>, vector<128x512xf32> -> vector<128x512xf32>
                  %get3A_45 = arith.constant 0 : index
                  %get3A_46 = arith.constant 0 : index
                  %get3A_47 = vector.load %arg18[%get3A_45, %get3A_46] : memref<1x512xf32, #tpu.memory_space<vmem>>, vector<1x512xf32>
                  %add3A = vector.broadcast %get3A_47 : vector<1x512xf32> to vector<128x512xf32>
                  %add3A_48 = arith.addf %dot_general3A_44, %add3A : vector<128x512xf32>
                  %mul3A = arith.constant 5.000000e-01 : f32
                  %mul3A_49 = vector.broadcast %mul3A : f32 to vector<128x512xf32>
                  %mul3A_50 = arith.mulf %add3A_48, %mul3A_49 : vector<128x512xf32>
                  %mul3A_51 = arith.constant 0.707106769 : f32
                  %mul3A_52 = vector.broadcast %mul3A_51 : f32 to vector<128x512xf32>
                  %mul3A_53 = arith.mulf %add3A_48, %mul3A_52 : vector<128x512xf32>
                  %erf3A = math.erf %mul3A_53 : vector<128x512xf32>
                  %add3A_54 = arith.constant 1.000000e+00 : f32
                  %add3A_55 = vector.broadcast %add3A_54 : f32 to vector<128x512xf32>
                  %add3A_56 = arith.addf %add3A_55, %erf3A : vector<128x512xf32>
                  %mul3A_57 = arith.mulf %mul3A_50, %add3A_56 : vector<128x512xf32>
                  %convert_element_type3A_58 = arith.truncf %mul3A_57 : vector<128x512xf32> to vector<128x512xbf16>
                  %get3A_59 = arith.constant 0 : index
                  %get3A_60 = arith.constant 0 : index
                  %get3A_61 = vector.load %arg26[%get3A_59, %get3A_60] : memref<512x512xbf16, #tpu.memory_space<vmem>>, vector<512x512xbf16>
                  %dot_general3A_62 = arith.constant dense<0.000000e+00> : vector<128x512xf32>
                  %dot_general3A_63 = tpu.matmul %convert_element_type3A_58, %get3A_61, %dot_general3A_62 {dimension_numbers = #tpu.dot_dimension_numbers<[1], [1], [0], [0], [0, 0, 1, 0], [], []>, transpose_lhs_hint = false} : vector<128x512xbf16>, vector<512x512xbf16>, vector<128x512xf32> -> vector<128x512xf32>
                  %get3A_64 = arith.constant 0 : index
                  %get3A_65 = arith.constant 0 : index
                  %get3A_66 = vector.load %arg34[%get3A_64, %get3A_65] : memref<1x512xf32, #tpu.memory_space<vmem>>, vector<1x512xf32>
                  %add3A_67 = vector.broadcast %get3A_66 : vector<1x512xf32> to vector<128x512xf32>
                  %add3A_68 = arith.addf %dot_general3A_63, %add3A_67 : vector<128x512xf32>
                  scf.yield %add3A_68 : vector<128x512xf32>
                } else {
                  %get3A_38 = arith.constant 0 : index
                  %get3A_39 = arith.constant 0 : index
                  %get3A_40 = vector.load %arg2[%get3A_38, %get3A_39] : memref<128x512xbf16, #tpu.memory_space<vmem>>, vector<128x512xbf16>
                  %get3A_41 = arith.constant 0 : index
                  %get3A_42 = arith.constant 0 : index
                  %get3A_43 = vector.load %arg9[%get3A_41, %get3A_42] : memref<2048x512xbf16, #tpu.memory_space<vmem>>, vector<2048x512xbf16>
                  %dot_general3A = arith.constant dense<0.000000e+00> : vector<128x2048xf32>
                  %dot_general3A_44 = tpu.matmul %get3A_40, %get3A_43, %dot_general3A {dimension_numbers = #tpu.dot_dimension_numbers<[1], [1], [0], [0], [0, 0, 1, 0], [], []>, transpose_lhs_hint = false} : vector<128x512xbf16>, vector<2048x512xbf16>, vector<128x2048xf32> -> vector<128x2048xf32>
                  %get3A_45 = arith.constant 0 : index
                  %get3A_46 = arith.constant 0 : index
                  %get3A_47 = vector.load %arg17[%get3A_45, %get3A_46] : memref<1x2048xf32, #tpu.memory_space<vmem>>, vector<1x2048xf32>
                  %add3A = vector.broadcast %get3A_47 : vector<1x2048xf32> to vector<128x2048xf32>
                  %add3A_48 = arith.addf %dot_general3A_44, %add3A : vector<128x2048xf32>
                  %mul3A = arith.constant 5.000000e-01 : f32
                  %mul3A_49 = vector.broadcast %mul3A : f32 to vector<128x2048xf32>
                  %mul3A_50 = arith.mulf %add3A_48, %mul3A_49 : vector<128x2048xf32>
                  %mul3A_51 = arith.constant 0.707106769 : f32
                  %mul3A_52 = vector.broadcast %mul3A_51 : f32 to vector<128x2048xf32>
                  %mul3A_53 = arith.mulf %add3A_48, %mul3A_52 : vector<128x2048xf32>
                  %erf3A = math.erf %mul3A_53 : vector<128x2048xf32>
                  %add3A_54 = arith.constant 1.000000e+00 : f32
                  %add3A_55 = vector.broadcast %add3A_54 : f32 to vector<128x2048xf32>
                  %add3A_56 = arith.addf %add3A_55, %erf3A : vector<128x2048xf32>
                  %mul3A_57 = arith.mulf %mul3A_50, %add3A_56 : vector<128x2048xf32>
                  %convert_element_type3A_58 = arith.truncf %mul3A_57 : vector<128x2048xf32> to vector<128x2048xbf16>
                  %get3A_59 = arith.constant 0 : index
                  %get3A_60 = arith.constant 0 : index
                  %get3A_61 = vector.load %arg25[%get3A_59, %get3A_60] : memref<512x2048xbf16, #tpu.memory_space<vmem>>, vector<512x2048xbf16>
                  %dot_general3A_62 = arith.constant dense<0.000000e+00> : vector<128x512xf32>
                  %dot_general3A_63 = tpu.matmul %convert_element_type3A_58, %get3A_61, %dot_general3A_62 {dimension_numbers = #tpu.dot_dimension_numbers<[1], [1], [0], [0], [0, 0, 1, 0], [], []>, transpose_lhs_hint = false} : vector<128x2048xbf16>, vector<512x2048xbf16>, vector<128x512xf32> -> vector<128x512xf32>
                  %get3A_64 = arith.constant 0 : index
                  %get3A_65 = arith.constant 0 : index
                  %get3A_66 = vector.load %arg33[%get3A_64, %get3A_65] : memref<1x512xf32, #tpu.memory_space<vmem>>, vector<1x512xf32>
                  %add3A_67 = vector.broadcast %get3A_66 : vector<1x512xf32> to vector<128x512xf32>
                  %add3A_68 = arith.addf %dot_general3A_63, %add3A_67 : vector<128x512xf32>
                  scf.yield %add3A_68 : vector<128x512xf32>
                }
                scf.yield %cond3A_37 : vector<128x512xf32>
              } else {
                %get3A_33 = arith.constant 0 : index
                %get3A_34 = arith.constant 0 : index
                %get3A_35 = vector.load %arg2[%get3A_33, %get3A_34] : memref<128x512xbf16, #tpu.memory_space<vmem>>, vector<128x512xbf16>
                %get3A_36 = arith.constant 0 : index
                %get3A_37 = arith.constant 0 : index
                %get3A_38 = vector.load %arg8[%get3A_36, %get3A_37] : memref<1024x512xbf16, #tpu.memory_space<vmem>>, vector<1024x512xbf16>
                %dot_general3A = arith.constant dense<0.000000e+00> : vector<128x1024xf32>
                %dot_general3A_39 = tpu.matmul %get3A_35, %get3A_38, %dot_general3A {dimension_numbers = #tpu.dot_dimension_numbers<[1], [1], [0], [0], [0, 0, 1, 0], [], []>, transpose_lhs_hint = false} : vector<128x512xbf16>, vector<1024x512xbf16>, vector<128x1024xf32> -> vector<128x1024xf32>
                %get3A_40 = arith.constant 0 : index
                %get3A_41 = arith.constant 0 : index
                %get3A_42 = vector.load %arg16[%get3A_40, %get3A_41] : memref<1x1024xf32, #tpu.memory_space<vmem>>, vector<1x1024xf32>
                %add3A = vector.broadcast %get3A_42 : vector<1x1024xf32> to vector<128x1024xf32>
                %add3A_43 = arith.addf %dot_general3A_39, %add3A : vector<128x1024xf32>
                %mul3A = arith.constant 5.000000e-01 : f32
                %mul3A_44 = vector.broadcast %mul3A : f32 to vector<128x1024xf32>
                %mul3A_45 = arith.mulf %add3A_43, %mul3A_44 : vector<128x1024xf32>
                %mul3A_46 = arith.constant 0.707106769 : f32
                %mul3A_47 = vector.broadcast %mul3A_46 : f32 to vector<128x1024xf32>
                %mul3A_48 = arith.mulf %add3A_43, %mul3A_47 : vector<128x1024xf32>
                %erf3A = math.erf %mul3A_48 : vector<128x1024xf32>
                %add3A_49 = arith.constant 1.000000e+00 : f32
                %add3A_50 = vector.broadcast %add3A_49 : f32 to vector<128x1024xf32>
                %add3A_51 = arith.addf %add3A_50, %erf3A : vector<128x1024xf32>
                %mul3A_52 = arith.mulf %mul3A_45, %add3A_51 : vector<128x1024xf32>
                %convert_element_type3A_53 = arith.truncf %mul3A_52 : vector<128x1024xf32> to vector<128x1024xbf16>
                %get3A_54 = arith.constant 0 : index
                %get3A_55 = arith.constant 0 : index
                %get3A_56 = vector.load %arg24[%get3A_54, %get3A_55] : memref<512x1024xbf16, #tpu.memory_space<vmem>>, vector<512x1024xbf16>
                %dot_general3A_57 = arith.constant dense<0.000000e+00> : vector<128x512xf32>
                %dot_general3A_58 = tpu.matmul %convert_element_type3A_53, %get3A_56, %dot_general3A_57 {dimension_numbers = #tpu.dot_dimension_numbers<[1], [1], [0], [0], [0, 0, 1, 0], [], []>, transpose_lhs_hint = false} : vector<128x1024xbf16>, vector<512x1024xbf16>, vector<128x512xf32> -> vector<128x512xf32>
                %get3A_59 = arith.constant 0 : index
                %get3A_60 = arith.constant 0 : index
                %get3A_61 = vector.load %arg32[%get3A_59, %get3A_60] : memref<1x512xf32, #tpu.memory_space<vmem>>, vector<1x512xf32>
                %add3A_62 = vector.broadcast %get3A_61 : vector<1x512xf32> to vector<128x512xf32>
                %add3A_63 = arith.addf %dot_general3A_58, %add3A_62 : vector<128x512xf32>
                scf.yield %add3A_63 : vector<128x512xf32>
              }
              scf.yield %cond3A_32 : vector<128x512xf32>
            } else {
              %get3A_28 = arith.constant 0 : index
              %get3A_29 = arith.constant 0 : index
              %get3A_30 = vector.load %arg2[%get3A_28, %get3A_29] : memref<128x512xbf16, #tpu.memory_space<vmem>>, vector<128x512xbf16>
              %get3A_31 = arith.constant 0 : index
              %get3A_32 = arith.constant 0 : index
              %get3A_33 = vector.load %arg7[%get3A_31, %get3A_32] : memref<512x512xbf16, #tpu.memory_space<vmem>>, vector<512x512xbf16>
              %dot_general3A = arith.constant dense<0.000000e+00> : vector<128x512xf32>
              %dot_general3A_34 = tpu.matmul %get3A_30, %get3A_33, %dot_general3A {dimension_numbers = #tpu.dot_dimension_numbers<[1], [1], [0], [0], [0, 0, 1, 0], [], []>, transpose_lhs_hint = false} : vector<128x512xbf16>, vector<512x512xbf16>, vector<128x512xf32> -> vector<128x512xf32>
              %get3A_35 = arith.constant 0 : index
              %get3A_36 = arith.constant 0 : index
              %get3A_37 = vector.load %arg15[%get3A_35, %get3A_36] : memref<1x512xf32, #tpu.memory_space<vmem>>, vector<1x512xf32>
              %add3A = vector.broadcast %get3A_37 : vector<1x512xf32> to vector<128x512xf32>
              %add3A_38 = arith.addf %dot_general3A_34, %add3A : vector<128x512xf32>
              %mul3A = arith.constant 5.000000e-01 : f32
              %mul3A_39 = vector.broadcast %mul3A : f32 to vector<128x512xf32>
              %mul3A_40 = arith.mulf %add3A_38, %mul3A_39 : vector<128x512xf32>
              %mul3A_41 = arith.constant 0.707106769 : f32
              %mul3A_42 = vector.broadcast %mul3A_41 : f32 to vector<128x512xf32>
              %mul3A_43 = arith.mulf %add3A_38, %mul3A_42 : vector<128x512xf32>
              %erf3A = math.erf %mul3A_43 : vector<128x512xf32>
              %add3A_44 = arith.constant 1.000000e+00 : f32
              %add3A_45 = vector.broadcast %add3A_44 : f32 to vector<128x512xf32>
              %add3A_46 = arith.addf %add3A_45, %erf3A : vector<128x512xf32>
              %mul3A_47 = arith.mulf %mul3A_40, %add3A_46 : vector<128x512xf32>
              %convert_element_type3A_48 = arith.truncf %mul3A_47 : vector<128x512xf32> to vector<128x512xbf16>
              %get3A_49 = arith.constant 0 : index
              %get3A_50 = arith.constant 0 : index
              %get3A_51 = vector.load %arg23[%get3A_49, %get3A_50] : memref<512x512xbf16, #tpu.memory_space<vmem>>, vector<512x512xbf16>
              %dot_general3A_52 = arith.constant dense<0.000000e+00> : vector<128x512xf32>
              %dot_general3A_53 = tpu.matmul %convert_element_type3A_48, %get3A_51, %dot_general3A_52 {dimension_numbers = #tpu.dot_dimension_numbers<[1], [1], [0], [0], [0, 0, 1, 0], [], []>, transpose_lhs_hint = false} : vector<128x512xbf16>, vector<512x512xbf16>, vector<128x512xf32> -> vector<128x512xf32>
              %get3A_54 = arith.constant 0 : index
              %get3A_55 = arith.constant 0 : index
              %get3A_56 = vector.load %arg31[%get3A_54, %get3A_55] : memref<1x512xf32, #tpu.memory_space<vmem>>, vector<1x512xf32>
              %add3A_57 = vector.broadcast %get3A_56 : vector<1x512xf32> to vector<128x512xf32>
              %add3A_58 = arith.addf %dot_general3A_53, %add3A_57 : vector<128x512xf32>
              scf.yield %add3A_58 : vector<128x512xf32>
            }
            scf.yield %cond3A_27 : vector<128x512xf32>
          } else {
            %get3A_23 = arith.constant 0 : index
            %get3A_24 = arith.constant 0 : index
            %get3A_25 = vector.load %arg2[%get3A_23, %get3A_24] : memref<128x512xbf16, #tpu.memory_space<vmem>>, vector<128x512xbf16>
            %get3A_26 = arith.constant 0 : index
            %get3A_27 = arith.constant 0 : index
            %get3A_28 = vector.load %arg6[%get3A_26, %get3A_27] : memref<2048x512xbf16, #tpu.memory_space<vmem>>, vector<2048x512xbf16>
            %dot_general3A = arith.constant dense<0.000000e+00> : vector<128x2048xf32>
            %dot_general3A_29 = tpu.matmul %get3A_25, %get3A_28, %dot_general3A {dimension_numbers = #tpu.dot_dimension_numbers<[1], [1], [0], [0], [0, 0, 1, 0], [], []>, transpose_lhs_hint = false} : vector<128x512xbf16>, vector<2048x512xbf16>, vector<128x2048xf32> -> vector<128x2048xf32>
            %get3A_30 = arith.constant 0 : index
            %get3A_31 = arith.constant 0 : index
            %get3A_32 = vector.load %arg14[%get3A_30, %get3A_31] : memref<1x2048xf32, #tpu.memory_space<vmem>>, vector<1x2048xf32>
            %add3A = vector.broadcast %get3A_32 : vector<1x2048xf32> to vector<128x2048xf32>
            %add3A_33 = arith.addf %dot_general3A_29, %add3A : vector<128x2048xf32>
            %mul3A = arith.constant 5.000000e-01 : f32
            %mul3A_34 = vector.broadcast %mul3A : f32 to vector<128x2048xf32>
            %mul3A_35 = arith.mulf %add3A_33, %mul3A_34 : vector<128x2048xf32>
            %mul3A_36 = arith.constant 0.707106769 : f32
            %mul3A_37 = vector.broadcast %mul3A_36 : f32 to vector<128x2048xf32>
            %mul3A_38 = arith.mulf %add3A_33, %mul3A_37 : vector<128x2048xf32>
            %erf3A = math.erf %mul3A_38 : vector<128x2048xf32>
            %add3A_39 = arith.constant 1.000000e+00 : f32
            %add3A_40 = vector.broadcast %add3A_39 : f32 to vector<128x2048xf32>
            %add3A_41 = arith.addf %add3A_40, %erf3A : vector<128x2048xf32>
            %mul3A_42 = arith.mulf %mul3A_35, %add3A_41 : vector<128x2048xf32>
            %convert_element_type3A_43 = arith.truncf %mul3A_42 : vector<128x2048xf32> to vector<128x2048xbf16>
            %get3A_44 = arith.constant 0 : index
            %get3A_45 = arith.constant 0 : index
            %get3A_46 = vector.load %arg22[%get3A_44, %get3A_45] : memref<512x2048xbf16, #tpu.memory_space<vmem>>, vector<512x2048xbf16>
            %dot_general3A_47 = arith.constant dense<0.000000e+00> : vector<128x512xf32>
            %dot_general3A_48 = tpu.matmul %convert_element_type3A_43, %get3A_46, %dot_general3A_47 {dimension_numbers = #tpu.dot_dimension_numbers<[1], [1], [0], [0], [0, 0, 1, 0], [], []>, transpose_lhs_hint = false} : vector<128x2048xbf16>, vector<512x2048xbf16>, vector<128x512xf32> -> vector<128x512xf32>
            %get3A_49 = arith.constant 0 : index
            %get3A_50 = arith.constant 0 : index
            %get3A_51 = vector.load %arg30[%get3A_49, %get3A_50] : memref<1x512xf32, #tpu.memory_space<vmem>>, vector<1x512xf32>
            %add3A_52 = vector.broadcast %get3A_51 : vector<1x512xf32> to vector<128x512xf32>
            %add3A_53 = arith.addf %dot_general3A_48, %add3A_52 : vector<128x512xf32>
            scf.yield %add3A_53 : vector<128x512xf32>
          }
          scf.yield %cond3A_22 : vector<128x512xf32>
        } else {
          %get3A_18 = arith.constant 0 : index
          %get3A_19 = arith.constant 0 : index
          %get3A_20 = vector.load %arg2[%get3A_18, %get3A_19] : memref<128x512xbf16, #tpu.memory_space<vmem>>, vector<128x512xbf16>
          %get3A_21 = arith.constant 0 : index
          %get3A_22 = arith.constant 0 : index
          %get3A_23 = vector.load %arg5[%get3A_21, %get3A_22] : memref<1024x512xbf16, #tpu.memory_space<vmem>>, vector<1024x512xbf16>
          %dot_general3A = arith.constant dense<0.000000e+00> : vector<128x1024xf32>
          %dot_general3A_24 = tpu.matmul %get3A_20, %get3A_23, %dot_general3A {dimension_numbers = #tpu.dot_dimension_numbers<[1], [1], [0], [0], [0, 0, 1, 0], [], []>, transpose_lhs_hint = false} : vector<128x512xbf16>, vector<1024x512xbf16>, vector<128x1024xf32> -> vector<128x1024xf32>
          %get3A_25 = arith.constant 0 : index
          %get3A_26 = arith.constant 0 : index
          %get3A_27 = vector.load %arg13[%get3A_25, %get3A_26] : memref<1x1024xf32, #tpu.memory_space<vmem>>, vector<1x1024xf32>
          %add3A = vector.broadcast %get3A_27 : vector<1x1024xf32> to vector<128x1024xf32>
          %add3A_28 = arith.addf %dot_general3A_24, %add3A : vector<128x1024xf32>
          %mul3A = arith.constant 5.000000e-01 : f32
          %mul3A_29 = vector.broadcast %mul3A : f32 to vector<128x1024xf32>
          %mul3A_30 = arith.mulf %add3A_28, %mul3A_29 : vector<128x1024xf32>
          %mul3A_31 = arith.constant 0.707106769 : f32
          %mul3A_32 = vector.broadcast %mul3A_31 : f32 to vector<128x1024xf32>
          %mul3A_33 = arith.mulf %add3A_28, %mul3A_32 : vector<128x1024xf32>
          %erf3A = math.erf %mul3A_33 : vector<128x1024xf32>
          %add3A_34 = arith.constant 1.000000e+00 : f32
          %add3A_35 = vector.broadcast %add3A_34 : f32 to vector<128x1024xf32>
          %add3A_36 = arith.addf %add3A_35, %erf3A : vector<128x1024xf32>
          %mul3A_37 = arith.mulf %mul3A_30, %add3A_36 : vector<128x1024xf32>
          %convert_element_type3A_38 = arith.truncf %mul3A_37 : vector<128x1024xf32> to vector<128x1024xbf16>
          %get3A_39 = arith.constant 0 : index
          %get3A_40 = arith.constant 0 : index
          %get3A_41 = vector.load %arg21[%get3A_39, %get3A_40] : memref<512x1024xbf16, #tpu.memory_space<vmem>>, vector<512x1024xbf16>
          %dot_general3A_42 = arith.constant dense<0.000000e+00> : vector<128x512xf32>
          %dot_general3A_43 = tpu.matmul %convert_element_type3A_38, %get3A_41, %dot_general3A_42 {dimension_numbers = #tpu.dot_dimension_numbers<[1], [1], [0], [0], [0, 0, 1, 0], [], []>, transpose_lhs_hint = false} : vector<128x1024xbf16>, vector<512x1024xbf16>, vector<128x512xf32> -> vector<128x512xf32>
          %get3A_44 = arith.constant 0 : index
          %get3A_45 = arith.constant 0 : index
          %get3A_46 = vector.load %arg29[%get3A_44, %get3A_45] : memref<1x512xf32, #tpu.memory_space<vmem>>, vector<1x512xf32>
          %add3A_47 = vector.broadcast %get3A_46 : vector<1x512xf32> to vector<128x512xf32>
          %add3A_48 = arith.addf %dot_general3A_43, %add3A_47 : vector<128x512xf32>
          scf.yield %add3A_48 : vector<128x512xf32>
        }
        scf.yield %cond3A_17 : vector<128x512xf32>
      } else {
        %get3A_13 = arith.constant 0 : index
        %get3A_14 = arith.constant 0 : index
        %get3A_15 = vector.load %arg2[%get3A_13, %get3A_14] : memref<128x512xbf16, #tpu.memory_space<vmem>>, vector<128x512xbf16>
        %get3A_16 = arith.constant 0 : index
        %get3A_17 = arith.constant 0 : index
        %get3A_18 = vector.load %arg4[%get3A_16, %get3A_17] : memref<2048x512xbf16, #tpu.memory_space<vmem>>, vector<2048x512xbf16>
        %dot_general3A = arith.constant dense<0.000000e+00> : vector<128x2048xf32>
        %dot_general3A_19 = tpu.matmul %get3A_15, %get3A_18, %dot_general3A {dimension_numbers = #tpu.dot_dimension_numbers<[1], [1], [0], [0], [0, 0, 1, 0], [], []>, transpose_lhs_hint = false} : vector<128x512xbf16>, vector<2048x512xbf16>, vector<128x2048xf32> -> vector<128x2048xf32>
        %get3A_20 = arith.constant 0 : index
        %get3A_21 = arith.constant 0 : index
        %get3A_22 = vector.load %arg12[%get3A_20, %get3A_21] : memref<1x2048xf32, #tpu.memory_space<vmem>>, vector<1x2048xf32>
        %add3A = vector.broadcast %get3A_22 : vector<1x2048xf32> to vector<128x2048xf32>
        %add3A_23 = arith.addf %dot_general3A_19, %add3A : vector<128x2048xf32>
        %mul3A = arith.constant 5.000000e-01 : f32
        %mul3A_24 = vector.broadcast %mul3A : f32 to vector<128x2048xf32>
        %mul3A_25 = arith.mulf %add3A_23, %mul3A_24 : vector<128x2048xf32>
        %mul3A_26 = arith.constant 0.707106769 : f32
        %mul3A_27 = vector.broadcast %mul3A_26 : f32 to vector<128x2048xf32>
        %mul3A_28 = arith.mulf %add3A_23, %mul3A_27 : vector<128x2048xf32>
        %erf3A = math.erf %mul3A_28 : vector<128x2048xf32>
        %add3A_29 = arith.constant 1.000000e+00 : f32
        %add3A_30 = vector.broadcast %add3A_29 : f32 to vector<128x2048xf32>
        %add3A_31 = arith.addf %add3A_30, %erf3A : vector<128x2048xf32>
        %mul3A_32 = arith.mulf %mul3A_25, %add3A_31 : vector<128x2048xf32>
        %convert_element_type3A_33 = arith.truncf %mul3A_32 : vector<128x2048xf32> to vector<128x2048xbf16>
        %get3A_34 = arith.constant 0 : index
        %get3A_35 = arith.constant 0 : index
        %get3A_36 = vector.load %arg20[%get3A_34, %get3A_35] : memref<512x2048xbf16, #tpu.memory_space<vmem>>, vector<512x2048xbf16>
        %dot_general3A_37 = arith.constant dense<0.000000e+00> : vector<128x512xf32>
        %dot_general3A_38 = tpu.matmul %convert_element_type3A_33, %get3A_36, %dot_general3A_37 {dimension_numbers = #tpu.dot_dimension_numbers<[1], [1], [0], [0], [0, 0, 1, 0], [], []>, transpose_lhs_hint = false} : vector<128x2048xbf16>, vector<512x2048xbf16>, vector<128x512xf32> -> vector<128x512xf32>
        %get3A_39 = arith.constant 0 : index
        %get3A_40 = arith.constant 0 : index
        %get3A_41 = vector.load %arg28[%get3A_39, %get3A_40] : memref<1x512xf32, #tpu.memory_space<vmem>>, vector<1x512xf32>
        %add3A_42 = vector.broadcast %get3A_41 : vector<1x512xf32> to vector<128x512xf32>
        %add3A_43 = arith.addf %dot_general3A_38, %add3A_42 : vector<128x512xf32>
        scf.yield %add3A_43 : vector<128x512xf32>
      }
      scf.yield %cond3A_12 : vector<128x512xf32>
    } else {
      %get3A_8 = arith.constant 0 : index
      %get3A_9 = arith.constant 0 : index
      %get3A_10 = vector.load %arg2[%get3A_8, %get3A_9] : memref<128x512xbf16, #tpu.memory_space<vmem>>, vector<128x512xbf16>
      %get3A_11 = arith.constant 0 : index
      %get3A_12 = arith.constant 0 : index
      %get3A_13 = vector.load %arg3[%get3A_11, %get3A_12] : memref<1024x512xbf16, #tpu.memory_space<vmem>>, vector<1024x512xbf16>
      %dot_general3A = arith.constant dense<0.000000e+00> : vector<128x1024xf32>
      %dot_general3A_14 = tpu.matmul %get3A_10, %get3A_13, %dot_general3A {dimension_numbers = #tpu.dot_dimension_numbers<[1], [1], [0], [0], [0, 0, 1, 0], [], []>, transpose_lhs_hint = false} : vector<128x512xbf16>, vector<1024x512xbf16>, vector<128x1024xf32> -> vector<128x1024xf32>
      %get3A_15 = arith.constant 0 : index
      %get3A_16 = arith.constant 0 : index
      %get3A_17 = vector.load %arg11[%get3A_15, %get3A_16] : memref<1x1024xf32, #tpu.memory_space<vmem>>, vector<1x1024xf32>
      %add3A = vector.broadcast %get3A_17 : vector<1x1024xf32> to vector<128x1024xf32>
      %add3A_18 = arith.addf %dot_general3A_14, %add3A : vector<128x1024xf32>
      %mul3A = arith.constant 5.000000e-01 : f32
      %mul3A_19 = vector.broadcast %mul3A : f32 to vector<128x1024xf32>
      %mul3A_20 = arith.mulf %add3A_18, %mul3A_19 : vector<128x1024xf32>
      %mul3A_21 = arith.constant 0.707106769 : f32
      %mul3A_22 = vector.broadcast %mul3A_21 : f32 to vector<128x1024xf32>
      %mul3A_23 = arith.mulf %add3A_18, %mul3A_22 : vector<128x1024xf32>
      %erf3A = math.erf %mul3A_23 : vector<128x1024xf32>
      %add3A_24 = arith.constant 1.000000e+00 : f32
      %add3A_25 = vector.broadcast %add3A_24 : f32 to vector<128x1024xf32>
      %add3A_26 = arith.addf %add3A_25, %erf3A : vector<128x1024xf32>
      %mul3A_27 = arith.mulf %mul3A_20, %add3A_26 : vector<128x1024xf32>
      %convert_element_type3A_28 = arith.truncf %mul3A_27 : vector<128x1024xf32> to vector<128x1024xbf16>
      %get3A_29 = arith.constant 0 : index
      %get3A_30 = arith.constant 0 : index
      %get3A_31 = vector.load %arg19[%get3A_29, %get3A_30] : memref<512x1024xbf16, #tpu.memory_space<vmem>>, vector<512x1024xbf16>
      %dot_general3A_32 = arith.constant dense<0.000000e+00> : vector<128x512xf32>
      %dot_general3A_33 = tpu.matmul %convert_element_type3A_28, %get3A_31, %dot_general3A_32 {dimension_numbers = #tpu.dot_dimension_numbers<[1], [1], [0], [0], [0, 0, 1, 0], [], []>, transpose_lhs_hint = false} : vector<128x1024xbf16>, vector<512x1024xbf16>, vector<128x512xf32> -> vector<128x512xf32>
      %get3A_34 = arith.constant 0 : index
      %get3A_35 = arith.constant 0 : index
      %get3A_36 = vector.load %arg27[%get3A_34, %get3A_35] : memref<1x512xf32, #tpu.memory_space<vmem>>, vector<1x512xf32>
      %add3A_37 = vector.broadcast %get3A_36 : vector<1x512xf32> to vector<128x512xf32>
      %add3A_38 = arith.addf %dot_general3A_33, %add3A_37 : vector<128x512xf32>
      scf.yield %add3A_38 : vector<128x512xf32>
    }
    %convert_element_type3A = arith.truncf %cond3A_5 : vector<128x512xf32> to vector<128x512xbf16>
    %swap3A = arith.constant 0 : index
    %swap3A_6 = arith.constant 0 : index
    %swap3A_7 = vector.load %arg35[%swap3A, %swap3A_6] : memref<128x512xbf16, #tpu.memory_space<vmem>>, vector<128x512xbf16>
    tpu.vector_store %arg35[%swap3A, %swap3A_6], %convert_element_type3A {strides = array<i32>} : memref<128x512xbf16, #tpu.memory_space<vmem>>, vector<128x512xbf16>,
    return
  }
  func.func @transform_0(%arg0: i32, %arg1: memref<40xi32, #tpu.memory_space<smem>>) -> (i32, i32) {
    %c0_i32 = arith.constant 0 : i32
    %c0_i32_0 = arith.constant 0 : i32
    return %arg0, %c0_i32 : i32, i32
  }
  func.func @transform_1(%arg0: i32, %arg1: memref<40xi32, #tpu.memory_space<smem>>) -> (i32, i32) {
    %c0_i32 = arith.constant 0 : i32
    %c0_i32_0 = arith.constant 0 : i32
    %c0_i32_1 = arith.constant 0 : i32
    return %c0_i32, %c0_i32_0 : i32, i32
  }
  func.func @transform_2(%arg0: i32, %arg1: memref<40xi32, #tpu.memory_space<smem>>) -> (i32, i32) {
    %c0_i32 = arith.constant 0 : i32
    %c0_i32_0 = arith.constant 0 : i32
    %c0_i32_1 = arith.constant 0 : i32
    return %c0_i32, %c0_i32_0 : i32, i32
  }
  func.func @transform_3(%arg0: i32, %arg1: memref<40xi32, #tpu.memory_space<smem>>) -> (i32, i32) {
    %c0_i32 = arith.constant 0 : i32
    %c0_i32_0 = arith.constant 0 : i32
    %c0_i32_1 = arith.constant 0 : i32
    return %c0_i32, %c0_i32_0 : i32, i32
  }
  func.func @transform_4(%arg0: i32, %arg1: memref<40xi32, #tpu.memory_space<smem>>) -> (i32, i32) {
    %c0_i32 = arith.constant 0 : i32
    %c0_i32_0 = arith.constant 0 : i32
    %c0_i32_1 = arith.constant 0 : i32
    return %c0_i32, %c0_i32_0 : i32, i32
  }
  func.func @transform_5(%arg0: i32, %arg1: memref<40xi32, #tpu.memory_space<smem>>) -> (i32, i32) {
    %c0_i32 = arith.constant 0 : i32
    %c0_i32_0 = arith.constant 0 : i32
    %c0_i32_1 = arith.constant 0 : i32
    return %c0_i32, %c0_i32_0 : i32, i32
  }
  func.func @transform_6(%arg0: i32, %arg1: memref<40xi32, #tpu.memory_space<smem>>) -> (i32, i32) {
    %c0_i32 = arith.constant 0 : i32
    %c0_i32_0 = arith.constant 0 : i32
    %c0_i32_1 = arith.constant 0 : i32
    return %c0_i32, %c0_i32_0 : i32, i32
  }
  func.func @transform_7(%arg0: i32, %arg1: memref<40xi32, #tpu.memory_space<smem>>) -> (i32, i32) {
    %c0_i32 = arith.constant 0 : i32
    %c0_i32_0 = arith.constant 0 : i32
    %c0_i32_1 = arith.constant 0 : i32
    return %c0_i32, %c0_i32_0 : i32, i32
  }
  func.func @transform_8(%arg0: i32, %arg1: memref<40xi32, #tpu.memory_space<smem>>) -> (i32, i32) {
    %c0_i32 = arith.constant 0 : i32
    %c0_i32_0 = arith.constant 0 : i32
    %c0_i32_1 = arith.constant 0 : i32
    return %c0_i32, %c0_i32_0 : i32, i32
  }
  func.func @transform_9(%arg0: i32, %arg1: memref<40xi32, #tpu.memory_space<smem>>) -> (i32, i32) {
    %c0_i32 = arith.constant 0 : i32
    %c0_i32_0 = arith.constant 0 : i32
    %c0_i32_1 = arith.constant 0 : i32
    return %c0_i32, %c0_i32_0 : i32, i32
  }
  func.func @transform_10(%arg0: i32, %arg1: memref<40xi32, #tpu.memory_space<smem>>) -> (i32, i32) {
    %c0_i32 = arith.constant 0 : i32
    %c0_i32_0 = arith.constant 0 : i32
    %c0_i32_1 = arith.constant 0 : i32
    return %c0_i32, %c0_i32_0 : i32, i32
  }
  func.func @transform_11(%arg0: i32, %arg1: memref<40xi32, #tpu.memory_space<smem>>) -> (i32, i32) {
    %c0_i32 = arith.constant 0 : i32
    %c0_i32_0 = arith.constant 0 : i32
    %c0_i32_1 = arith.constant 0 : i32
    return %c0_i32, %c0_i32_0 : i32, i32
  }
  func.func @transform_12(%arg0: i32, %arg1: memref<40xi32, #tpu.memory_space<smem>>) -> (i32, i32) {
    %c0_i32 = arith.constant 0 : i32
    %c0_i32_0 = arith.constant 0 : i32
    %c0_i32_1 = arith.constant 0 : i32
    return %c0_i32, %c0_i32_0 : i32, i32
  }
  func.func @transform_13(%arg0: i32, %arg1: memref<40xi32, #tpu.memory_space<smem>>) -> (i32, i32) {
    %c0_i32 = arith.constant 0 : i32
    %c0_i32_0 = arith.constant 0 : i32
    %c0_i32_1 = arith.constant 0 : i32
    return %c0_i32, %c0_i32_0 : i32, i32
  }
  func.func @transform_14(%arg0: i32, %arg1: memref<40xi32, #tpu.memory_space<smem>>) -> (i32, i32) {
    %c0_i32 = arith.constant 0 : i32
    %c0_i32_0 = arith.constant 0 : i32
    %c0_i32_1 = arith.constant 0 : i32
    return %c0_i32, %c0_i32_0 : i32, i32
  }
  func.func @transform_15(%arg0: i32, %arg1: memref<40xi32, #tpu.memory_space<smem>>) -> (i32, i32) {
    %c0_i32 = arith.constant 0 : i32
    %c0_i32_0 = arith.constant 0 : i32
    %c0_i32_1 = arith.constant 0 : i32
    return %c0_i32, %c0_i32_0 : i32, i32
  }
  func.func @transform_16(%arg0: i32, %arg1: memref<40xi32, #tpu.memory_space<smem>>) -> (i32, i32) {
    %c0_i32 = arith.constant 0 : i32
    %c0_i32_0 = arith.constant 0 : i32
    %c0_i32_1 = arith.constant 0 : i32
    return %c0_i32, %c0_i32_0 : i32, i32
  }
  func.func @transform_17(%arg0: i32, %arg1: memref<40xi32, #tpu.memory_space<smem>>) -> (i32, i32) {
    %c0_i32 = arith.constant 0 : i32
    %c0_i32_0 = arith.constant 0 : i32
    %c0_i32_1 = arith.constant 0 : i32
    return %c0_i32, %c0_i32_0 : i32, i32
  }
  func.func @transform_18(%arg0: i32, %arg1: memref<40xi32, #tpu.memory_space<smem>>) -> (i32, i32) {
    %c0_i32 = arith.constant 0 : i32
    %c0_i32_0 = arith.constant 0 : i32
    %c0_i32_1 = arith.constant 0 : i32
    return %c0_i32, %c0_i32_0 : i32, i32
  }
  func.func @transform_19(%arg0: i32, %arg1: memref<40xi32, #tpu.memory_space<smem>>) -> (i32, i32) {
    %c0_i32 = arith.constant 0 : i32
    %c0_i32_0 = arith.constant 0 : i32
    %c0_i32_1 = arith.constant 0 : i32
    return %c0_i32, %c0_i32_0 : i32, i32
  }
  func.func @transform_20(%arg0: i32, %arg1: memref<40xi32, #tpu.memory_space<smem>>) -> (i32, i32) {
    %c0_i32 = arith.constant 0 : i32
    %c0_i32_0 = arith.constant 0 : i32
    %c0_i32_1 = arith.constant 0 : i32
    return %c0_i32, %c0_i32_0 : i32, i32
  }
  func.func @transform_21(%arg0: i32, %arg1: memref<40xi32, #tpu.memory_space<smem>>) -> (i32, i32) {
    %c0_i32 = arith.constant 0 : i32
    %c0_i32_0 = arith.constant 0 : i32
    %c0_i32_1 = arith.constant 0 : i32
    return %c0_i32, %c0_i32_0 : i32, i32
  }
  func.func @transform_22(%arg0: i32, %arg1: memref<40xi32, #tpu.memory_space<smem>>) -> (i32, i32) {
    %c0_i32 = arith.constant 0 : i32
    %c0_i32_0 = arith.constant 0 : i32
    %c0_i32_1 = arith.constant 0 : i32
    return %c0_i32, %c0_i32_0 : i32, i32
  }
  func.func @transform_23(%arg0: i32, %arg1: memref<40xi32, #tpu.memory_space<smem>>) -> (i32, i32) {
    %c0_i32 = arith.constant 0 : i32
    %c0_i32_0 = arith.constant 0 : i32
    %c0_i32_1 = arith.constant 0 : i32
    return %c0_i32, %c0_i32_0 : i32, i32
  }
  func.func @transform_24(%arg0: i32, %arg1: memref<40xi32, #tpu.memory_space<smem>>) -> (i32, i32) {
    %c0_i32 = arith.constant 0 : i32
    %c0_i32_0 = arith.constant 0 : i32
    %c0_i32_1 = arith.constant 0 : i32
    return %c0_i32, %c0_i32_0 : i32, i32
  }
  func.func @transform_25(%arg0: i32, %arg1: memref<40xi32, #tpu.memory_space<smem>>) -> (i32, i32) {
    %c0_i32 = arith.constant 0 : i32
    %c0_i32_0 = arith.constant 0 : i32
    %c0_i32_1 = arith.constant 0 : i32
    return %c0_i32, %c0_i32_0 : i32, i32
  }
  func.func @transform_26(%arg0: i32, %arg1: memref<40xi32, #tpu.memory_space<smem>>) -> (i32, i32) {
    %c0_i32 = arith.constant 0 : i32
    %c0_i32_0 = arith.constant 0 : i32
    %c0_i32_1 = arith.constant 0 : i32
    return %c0_i32, %c0_i32_0 : i32, i32
  }
  func.func @transform_27(%arg0: i32, %arg1: memref<40xi32, #tpu.memory_space<smem>>) -> (i32, i32) {
    %c0_i32 = arith.constant 0 : i32
    %c0_i32_0 = arith.constant 0 : i32
    %c0_i32_1 = arith.constant 0 : i32
    return %c0_i32, %c0_i32_0 : i32, i32
  }
  func.func @transform_28(%arg0: i32, %arg1: memref<40xi32, #tpu.memory_space<smem>>) -> (i32, i32) {
    %c0_i32 = arith.constant 0 : i32
    %c0_i32_0 = arith.constant 0 : i32
    %c0_i32_1 = arith.constant 0 : i32
    return %c0_i32, %c0_i32_0 : i32, i32
  }
  func.func @transform_29(%arg0: i32, %arg1: memref<40xi32, #tpu.memory_space<smem>>) -> (i32, i32) {
    %c0_i32 = arith.constant 0 : i32
    %c0_i32_0 = arith.constant 0 : i32
    %c0_i32_1 = arith.constant 0 : i32
    return %c0_i32, %c0_i32_0 : i32, i32
  }
  func.func @transform_30(%arg0: i32, %arg1: memref<40xi32, #tpu.memory_space<smem>>) -> (i32, i32) {
    %c0_i32 = arith.constant 0 : i32
    %c0_i32_0 = arith.constant 0 : i32
    %c0_i32_1 = arith.constant 0 : i32
    return %c0_i32, %c0_i32_0 : i32, i32
  }
  func.func @transform_31(%arg0: i32, %arg1: memref<40xi32, #tpu.memory_space<smem>>) -> (i32, i32) {
    %c0_i32 = arith.constant 0 : i32
    %c0_i32_0 = arith.constant 0 : i32
    %c0_i32_1 = arith.constant 0 : i32
    return %c0_i32, %c0_i32_0 : i32, i32
  }
  func.func @transform_32(%arg0: i32, %arg1: memref<40xi32, #tpu.memory_space<smem>>) -> (i32, i32) {
    %c0_i32 = arith.constant 0 : i32
    %c0_i32_0 = arith.constant 0 : i32
    %c0_i32_1 = arith.constant 0 : i32
    return %c0_i32, %c0_i32_0 : i32, i32
  }
  func.func @transform_33(%arg0: i32, %arg1: memref<40xi32, #tpu.memory_space<smem>>) -> (i32, i32) {
    %c0_i32 = arith.constant 0 : i32
    %c0_i32_0 = arith.constant 0 : i32
    return %arg0, %c0_i32 : i32, i32
  }
}

module attributes {stable_mosaic.version = 14 : i64} {
  func.func @_combine_body(%arg0: i32, %arg1: memref<512x512xbf16, #tpu.memory_space<vmem>>, %arg2: memref<512x512xbf16, #tpu.memory_space<vmem>>, %arg3: memref<512x16xf32, #tpu.memory_space<vmem>>, %arg4: memref<512x8xf32, #tpu.memory_space<vmem>>, %arg5: memref<512x512xbf16, #tpu.memory_space<vmem>>, %arg6: memref<512x1024xf32, #tpu.memory_space<vmem>>, %arg7: memref<8x16xf32, #tpu.memory_space<vmem>>, %arg8: memref<1024x512xbf16, #tpu.memory_space<vmem>>, %arg9: memref<1x1024xf32, #tpu.memory_space<vmem>>, %arg10: memref<1x1024xf32, #tpu.memory_space<vmem>>, %arg11: memref<1x2048xf32, #tpu.memory_space<vmem>>, %arg12: memref<1x1024xf32, #tpu.memory_space<vmem>>, %arg13: memref<1x2048xf32, #tpu.memory_space<vmem>>, %arg14: memref<1x512xf32, #tpu.memory_space<vmem>>, %arg15: memref<1x1024xf32, #tpu.memory_space<vmem>>, %arg16: memref<1x2048xf32, #tpu.memory_space<vmem>>, %arg17: memref<1x512xf32, #tpu.memory_space<vmem>>, %arg18: memref<512x1024xbf16, #tpu.memory_space<vmem>>, %arg19: memref<512x2048xbf16, #tpu.memory_space<vmem>>, %arg20: memref<512x1024xbf16, #tpu.memory_space<vmem>>, %arg21: memref<512x2048xbf16, #tpu.memory_space<vmem>>, %arg22: memref<512x512xbf16, #tpu.memory_space<vmem>>, %arg23: memref<512x1024xbf16, #tpu.memory_space<vmem>>, %arg24: memref<512x2048xbf16, #tpu.memory_space<vmem>>, %arg25: memref<512x512xbf16, #tpu.memory_space<vmem>>, %arg26: memref<1x512xf32, #tpu.memory_space<vmem>>, %arg27: memref<1x512xf32, #tpu.memory_space<vmem>>, %arg28: memref<1x512xf32, #tpu.memory_space<vmem>>, %arg29: memref<1x512xf32, #tpu.memory_space<vmem>>, %arg30: memref<1x512xf32, #tpu.memory_space<vmem>>, %arg31: memref<1x512xf32, #tpu.memory_space<vmem>>, %arg32: memref<1x512xf32, #tpu.memory_space<vmem>>, %arg33: memref<1x512xf32, #tpu.memory_space<vmem>>, %arg34: memref<512x1024xf32, #tpu.memory_space<vmem>>, %arg35: memref<16x512xf32, #tpu.memory_space<vmem>>) attributes {dimension_semantics = [#tpu.dimension_semantics<arbitrary>], iteration_bounds = array<i64: 4>, scalar_prefetch = 0 : i64, scratch_operands = 1 : i64, tpu.core_type = #tpu.core_type<tc>, window_params = [{transform_indices = @transform_0, window_bounds = array<i64: 512, 512>}, {transform_indices = @transform_1, window_bounds = array<i64: 512, 512>}, {transform_indices = @transform_2, window_bounds = array<i64: 512, 16>}, {transform_indices = @transform_3, window_bounds = array<i64: 512, 8>}, {transform_indices = @transform_4, window_bounds = array<i64: 512, 512>}, {transform_indices = @transform_5, window_bounds = array<i64: 512, 1024>}, {pipeline_mode = #tpu.pipeline_mode<synchronous>, transform_indices = @transform_6, window_bounds = array<i64: 8, 16>}, {pipeline_mode = #tpu.pipeline_mode<synchronous>, transform_indices = @transform_7, window_bounds = array<i64: 1024, 512>}, {pipeline_mode = #tpu.pipeline_mode<synchronous>, transform_indices = @transform_8, window_bounds = array<i64: 1, 1024>}, {pipeline_mode = #tpu.pipeline_mode<synchronous>, transform_indices = @transform_9, window_bounds = array<i64: 1, 1024>}, {pipeline_mode = #tpu.pipeline_mode<synchronous>, transform_indices = @transform_10, window_bounds = array<i64: 1, 2048>}, {pipeline_mode = #tpu.pipeline_mode<synchronous>, transform_indices = @transform_11, window_bounds = array<i64: 1, 1024>}, {pipeline_mode = #tpu.pipeline_mode<synchronous>, transform_indices = @transform_12, window_bounds = array<i64: 1, 2048>}, {pipeline_mode = #tpu.pipeline_mode<synchronous>, transform_indices = @transform_13, window_bounds = array<i64: 1, 512>}, {pipeline_mode = #tpu.pipeline_mode<synchronous>, transform_indices = @transform_14, window_bounds = array<i64: 1, 1024>}, {pipeline_mode = #tpu.pipeline_mode<synchronous>, transform_indices = @transform_15, window_bounds = array<i64: 1, 2048>}, {pipeline_mode = #tpu.pipeline_mode<synchronous>, transform_indices = @transform_16, window_bounds = array<i64: 1, 512>}, {pipeline_mode = #tpu.pipeline_mode<synchronous>, transform_indices = @transform_17, window_bounds = array<i64: 512, 1024>}, {pipeline_mode = #tpu.pipeline_mode<synchronous>, transform_indices = @transform_18, window_bounds = array<i64: 512, 2048>}, {pipeline_mode = #tpu.pipeline_mode<synchronous>, transform_indices = @transform_19, window_bounds = array<i64: 512, 1024>}, {pipeline_mode = #tpu.pipeline_mode<synchronous>, transform_indices = @transform_20, window_bounds = array<i64: 512, 2048>}, {pipeline_mode = #tpu.pipeline_mode<synchronous>, transform_indices = @transform_21, window_bounds = array<i64: 512, 512>}, {pipeline_mode = #tpu.pipeline_mode<synchronous>, transform_indices = @transform_22, window_bounds = array<i64: 512, 1024>}, {pipeline_mode = #tpu.pipeline_mode<synchronous>, transform_indices = @transform_23, window_bounds = array<i64: 512, 2048>}, {pipeline_mode = #tpu.pipeline_mode<synchronous>, transform_indices = @transform_24, window_bounds = array<i64: 512, 512>}, {pipeline_mode = #tpu.pipeline_mode<synchronous>, transform_indices = @transform_25, window_bounds = array<i64: 1, 512>}, {pipeline_mode = #tpu.pipeline_mode<synchronous>, transform_indices = @transform_26, window_bounds = array<i64: 1, 512>}, {pipeline_mode = #tpu.pipeline_mode<synchronous>, transform_indices = @transform_27, window_bounds = array<i64: 1, 512>}, {pipeline_mode = #tpu.pipeline_mode<synchronous>, transform_indices = @transform_28, window_bounds = array<i64: 1, 512>}, {pipeline_mode = #tpu.pipeline_mode<synchronous>, transform_indices = @transform_29, window_bounds = array<i64: 1, 512>}, {pipeline_mode = #tpu.pipeline_mode<synchronous>, transform_indices = @transform_30, window_bounds = array<i64: 1, 512>}, {pipeline_mode = #tpu.pipeline_mode<synchronous>, transform_indices = @transform_31, window_bounds = array<i64: 1, 512>}, {pipeline_mode = #tpu.pipeline_mode<synchronous>, transform_indices = @transform_32, window_bounds = array<i64: 1, 512>}, {transform_indices = @transform_33, window_bounds = array<i64: 512, 1024>}]} {
    %eq3A = arith.constant 0 : i32
    %eq3A_0 = arith.cmpi eq, %arg0, %eq3A : i32
    %convert_element_type3A = arith.extui %eq3A_0 : i1 to i32
    %cond3A = arith.constant 0 : i32
    %cond3A_1 = arith.cmpi ne, %convert_element_type3A, %cond3A : i32
    scf.if %cond3A_1 {
      %get3A_122 = arith.constant 0 : index
      %get3A_123 = arith.constant 0 : index
      %get3A_124 = vector.load %arg10[%get3A_122, %get3A_123] : memref<1x1024xf32, #tpu.memory_space<vmem>>, vector<1x1024xf32>
      %mul3A_125 = arith.constant 5.000000e-01 : f32
      %mul3A_126 = vector.broadcast %mul3A_125 : f32 to vector<1x1024xf32>
      %mul3A_127 = arith.mulf %get3A_124, %mul3A_126 : vector<1x1024xf32>
      %mul3A_128 = arith.constant 0.707106769 : f32
      %mul3A_129 = vector.broadcast %mul3A_128 : f32 to vector<1x1024xf32>
      %mul3A_130 = arith.mulf %get3A_124, %mul3A_129 : vector<1x1024xf32>
      %erf3A = math.erf %mul3A_130 : vector<1x1024xf32>
      %add3A_131 = arith.constant 1.000000e+00 : f32
      %add3A_132 = vector.broadcast %add3A_131 : f32 to vector<1x1024xf32>
      %add3A_133 = arith.addf %add3A_132, %erf3A : vector<1x1024xf32>
      %mul3A_134 = arith.mulf %mul3A_127, %add3A_133 : vector<1x1024xf32>
      %convert_element_type3A_135 = arith.truncf %mul3A_134 : vector<1x1024xf32> to vector<1x1024xbf16>
      %get3A_136 = arith.constant 0 : index
      %get3A_137 = arith.constant 0 : index
      %get3A_138 = vector.load %arg18[%get3A_136, %get3A_137] : memref<512x1024xbf16, #tpu.memory_space<vmem>>, vector<512x1024xbf16>
      %dot_general3A_139 = arith.constant dense<0.000000e+00> : vector<1x512xf32>
      %dot_general3A_140 = tpu.matmul %convert_element_type3A_135, %get3A_138, %dot_general3A_139 {dimension_numbers = #tpu.dot_dimension_numbers<[1], [1], [0], [0], [0, 0, 1, 0], [], []>, transpose_lhs_hint = false} : vector<1x1024xbf16>, vector<512x1024xbf16>, vector<1x512xf32> -> vector<1x512xf32>
      %get3A_141 = arith.constant 0 : index
      %get3A_142 = arith.constant 0 : index
      %get3A_143 = vector.load %arg26[%get3A_141, %get3A_142] : memref<1x512xf32, #tpu.memory_space<vmem>>, vector<1x512xf32>
      %add3A_144 = arith.addf %dot_general3A_140, %get3A_143 : vector<1x512xf32>
      %swap3A_145 = arith.constant 0 : index
      %swap3A_146 = arith.constant 0 : index
      %swap3A_147 = vector.load %arg35[%swap3A_145, %swap3A_146] : memref<16x512xf32, #tpu.memory_space<vmem>>, vector<1x512xf32>
      tpu.vector_store %arg35[%swap3A_145, %swap3A_146], %add3A_144 {strides = array<i32>} : memref<16x512xf32, #tpu.memory_space<vmem>>, vector<1x512xf32>,
      %get3A_148 = arith.constant 0 : index
      %get3A_149 = arith.constant 0 : index
      %get3A_150 = vector.load %arg11[%get3A_148, %get3A_149] : memref<1x2048xf32, #tpu.memory_space<vmem>>, vector<1x2048xf32>
      %mul3A_151 = arith.constant 5.000000e-01 : f32
      %mul3A_152 = vector.broadcast %mul3A_151 : f32 to vector<1x2048xf32>
      %mul3A_153 = arith.mulf %get3A_150, %mul3A_152 : vector<1x2048xf32>
      %mul3A_154 = arith.constant 0.707106769 : f32
      %mul3A_155 = vector.broadcast %mul3A_154 : f32 to vector<1x2048xf32>
      %mul3A_156 = arith.mulf %get3A_150, %mul3A_155 : vector<1x2048xf32>
      %erf3A_157 = math.erf %mul3A_156 : vector<1x2048xf32>
      %add3A_158 = arith.constant 1.000000e+00 : f32
      %add3A_159 = vector.broadcast %add3A_158 : f32 to vector<1x2048xf32>
      %add3A_160 = arith.addf %add3A_159, %erf3A_157 : vector<1x2048xf32>
      %mul3A_161 = arith.mulf %mul3A_153, %add3A_160 : vector<1x2048xf32>
      %convert_element_type3A_162 = arith.truncf %mul3A_161 : vector<1x2048xf32> to vector<1x2048xbf16>
      %get3A_163 = arith.constant 0 : index
      %get3A_164 = arith.constant 0 : index
      %get3A_165 = vector.load %arg19[%get3A_163, %get3A_164] : memref<512x2048xbf16, #tpu.memory_space<vmem>>, vector<512x2048xbf16>
      %dot_general3A_166 = arith.constant dense<0.000000e+00> : vector<1x512xf32>
      %dot_general3A_167 = tpu.matmul %convert_element_type3A_162, %get3A_165, %dot_general3A_166 {dimension_numbers = #tpu.dot_dimension_numbers<[1], [1], [0], [0], [0, 0, 1, 0], [], []>, transpose_lhs_hint = false} : vector<1x2048xbf16>, vector<512x2048xbf16>, vector<1x512xf32> -> vector<1x512xf32>
      %get3A_168 = arith.constant 0 : index
      %get3A_169 = arith.constant 0 : index
      %get3A_170 = vector.load %arg27[%get3A_168, %get3A_169] : memref<1x512xf32, #tpu.memory_space<vmem>>, vector<1x512xf32>
      %add3A_171 = arith.addf %dot_general3A_167, %get3A_170 : vector<1x512xf32>
      %swap3A_172 = arith.constant 1 : index
      %swap3A_173 = arith.constant 0 : index
      %swap3A_174 = vector.load %arg35[%swap3A_172, %swap3A_173] : memref<16x512xf32, #tpu.memory_space<vmem>>, vector<1x512xf32>
      tpu.vector_store %arg35[%swap3A_172, %swap3A_173], %add3A_171 {strides = array<i32>} : memref<16x512xf32, #tpu.memory_space<vmem>>, vector<1x512xf32>,
      %get3A_175 = arith.constant 0 : index
      %get3A_176 = arith.constant 0 : index
      %get3A_177 = vector.load %arg12[%get3A_175, %get3A_176] : memref<1x1024xf32, #tpu.memory_space<vmem>>, vector<1x1024xf32>
      %mul3A_178 = arith.constant 5.000000e-01 : f32
      %mul3A_179 = vector.broadcast %mul3A_178 : f32 to vector<1x1024xf32>
      %mul3A_180 = arith.mulf %get3A_177, %mul3A_179 : vector<1x1024xf32>
      %mul3A_181 = arith.constant 0.707106769 : f32
      %mul3A_182 = vector.broadcast %mul3A_181 : f32 to vector<1x1024xf32>
      %mul3A_183 = arith.mulf %get3A_177, %mul3A_182 : vector<1x1024xf32>
      %erf3A_184 = math.erf %mul3A_183 : vector<1x1024xf32>
      %add3A_185 = arith.constant 1.000000e+00 : f32
      %add3A_186 = vector.broadcast %add3A_185 : f32 to vector<1x1024xf32>
      %add3A_187 = arith.addf %add3A_186, %erf3A_184 : vector<1x1024xf32>
      %mul3A_188 = arith.mulf %mul3A_180, %add3A_187 : vector<1x1024xf32>
      %convert_element_type3A_189 = arith.truncf %mul3A_188 : vector<1x1024xf32> to vector<1x1024xbf16>
      %get3A_190 = arith.constant 0 : index
      %get3A_191 = arith.constant 0 : index
      %get3A_192 = vector.load %arg20[%get3A_190, %get3A_191] : memref<512x1024xbf16, #tpu.memory_space<vmem>>, vector<512x1024xbf16>
      %dot_general3A_193 = arith.constant dense<0.000000e+00> : vector<1x512xf32>
      %dot_general3A_194 = tpu.matmul %convert_element_type3A_189, %get3A_192, %dot_general3A_193 {dimension_numbers = #tpu.dot_dimension_numbers<[1], [1], [0], [0], [0, 0, 1, 0], [], []>, transpose_lhs_hint = false} : vector<1x1024xbf16>, vector<512x1024xbf16>, vector<1x512xf32> -> vector<1x512xf32>
      %get3A_195 = arith.constant 0 : index
      %get3A_196 = arith.constant 0 : index
      %get3A_197 = vector.load %arg28[%get3A_195, %get3A_196] : memref<1x512xf32, #tpu.memory_space<vmem>>, vector<1x512xf32>
      %add3A_198 = arith.addf %dot_general3A_194, %get3A_197 : vector<1x512xf32>
      %swap3A_199 = arith.constant 2 : index
      %swap3A_200 = arith.constant 0 : index
      %swap3A_201 = vector.load %arg35[%swap3A_199, %swap3A_200] : memref<16x512xf32, #tpu.memory_space<vmem>>, vector<1x512xf32>
      tpu.vector_store %arg35[%swap3A_199, %swap3A_200], %add3A_198 {strides = array<i32>} : memref<16x512xf32, #tpu.memory_space<vmem>>, vector<1x512xf32>,
      %get3A_202 = arith.constant 0 : index
      %get3A_203 = arith.constant 0 : index
      %get3A_204 = vector.load %arg13[%get3A_202, %get3A_203] : memref<1x2048xf32, #tpu.memory_space<vmem>>, vector<1x2048xf32>
      %mul3A_205 = arith.constant 5.000000e-01 : f32
      %mul3A_206 = vector.broadcast %mul3A_205 : f32 to vector<1x2048xf32>
      %mul3A_207 = arith.mulf %get3A_204, %mul3A_206 : vector<1x2048xf32>
      %mul3A_208 = arith.constant 0.707106769 : f32
      %mul3A_209 = vector.broadcast %mul3A_208 : f32 to vector<1x2048xf32>
      %mul3A_210 = arith.mulf %get3A_204, %mul3A_209 : vector<1x2048xf32>
      %erf3A_211 = math.erf %mul3A_210 : vector<1x2048xf32>
      %add3A_212 = arith.constant 1.000000e+00 : f32
      %add3A_213 = vector.broadcast %add3A_212 : f32 to vector<1x2048xf32>
      %add3A_214 = arith.addf %add3A_213, %erf3A_211 : vector<1x2048xf32>
      %mul3A_215 = arith.mulf %mul3A_207, %add3A_214 : vector<1x2048xf32>
      %convert_element_type3A_216 = arith.truncf %mul3A_215 : vector<1x2048xf32> to vector<1x2048xbf16>
      %get3A_217 = arith.constant 0 : index
      %get3A_218 = arith.constant 0 : index
      %get3A_219 = vector.load %arg21[%get3A_217, %get3A_218] : memref<512x2048xbf16, #tpu.memory_space<vmem>>, vector<512x2048xbf16>
      %dot_general3A_220 = arith.constant dense<0.000000e+00> : vector<1x512xf32>
      %dot_general3A_221 = tpu.matmul %convert_element_type3A_216, %get3A_219, %dot_general3A_220 {dimension_numbers = #tpu.dot_dimension_numbers<[1], [1], [0], [0], [0, 0, 1, 0], [], []>, transpose_lhs_hint = false} : vector<1x2048xbf16>, vector<512x2048xbf16>, vector<1x512xf32> -> vector<1x512xf32>
      %get3A_222 = arith.constant 0 : index
      %get3A_223 = arith.constant 0 : index
      %get3A_224 = vector.load %arg29[%get3A_222, %get3A_223] : memref<1x512xf32, #tpu.memory_space<vmem>>, vector<1x512xf32>
      %add3A_225 = arith.addf %dot_general3A_221, %get3A_224 : vector<1x512xf32>
      %swap3A_226 = arith.constant 3 : index
      %swap3A_227 = arith.constant 0 : index
      %swap3A_228 = vector.load %arg35[%swap3A_226, %swap3A_227] : memref<16x512xf32, #tpu.memory_space<vmem>>, vector<1x512xf32>
      tpu.vector_store %arg35[%swap3A_226, %swap3A_227], %add3A_225 {strides = array<i32>} : memref<16x512xf32, #tpu.memory_space<vmem>>, vector<1x512xf32>,
      %get3A_229 = arith.constant 0 : index
      %get3A_230 = arith.constant 0 : index
      %get3A_231 = vector.load %arg14[%get3A_229, %get3A_230] : memref<1x512xf32, #tpu.memory_space<vmem>>, vector<1x512xf32>
      %mul3A_232 = arith.constant 5.000000e-01 : f32
      %mul3A_233 = vector.broadcast %mul3A_232 : f32 to vector<1x512xf32>
      %mul3A_234 = arith.mulf %get3A_231, %mul3A_233 : vector<1x512xf32>
      %mul3A_235 = arith.constant 0.707106769 : f32
      %mul3A_236 = vector.broadcast %mul3A_235 : f32 to vector<1x512xf32>
      %mul3A_237 = arith.mulf %get3A_231, %mul3A_236 : vector<1x512xf32>
      %erf3A_238 = math.erf %mul3A_237 : vector<1x512xf32>
      %add3A_239 = arith.constant 1.000000e+00 : f32
      %add3A_240 = vector.broadcast %add3A_239 : f32 to vector<1x512xf32>
      %add3A_241 = arith.addf %add3A_240, %erf3A_238 : vector<1x512xf32>
      %mul3A_242 = arith.mulf %mul3A_234, %add3A_241 : vector<1x512xf32>
      %convert_element_type3A_243 = arith.truncf %mul3A_242 : vector<1x512xf32> to vector<1x512xbf16>
      %get3A_244 = arith.constant 0 : index
      %get3A_245 = arith.constant 0 : index
      %get3A_246 = vector.load %arg22[%get3A_244, %get3A_245] : memref<512x512xbf16, #tpu.memory_space<vmem>>, vector<512x512xbf16>
      %dot_general3A_247 = arith.constant dense<0.000000e+00> : vector<1x512xf32>
      %dot_general3A_248 = tpu.matmul %convert_element_type3A_243, %get3A_246, %dot_general3A_247 {dimension_numbers = #tpu.dot_dimension_numbers<[1], [1], [0], [0], [0, 0, 1, 0], [], []>, transpose_lhs_hint = false} : vector<1x512xbf16>, vector<512x512xbf16>, vector<1x512xf32> -> vector<1x512xf32>
      %get3A_249 = arith.constant 0 : index
      %get3A_250 = arith.constant 0 : index
      %get3A_251 = vector.load %arg30[%get3A_249, %get3A_250] : memref<1x512xf32, #tpu.memory_space<vmem>>, vector<1x512xf32>
      %add3A_252 = arith.addf %dot_general3A_248, %get3A_251 : vector<1x512xf32>
      %swap3A_253 = arith.constant 4 : index
      %swap3A_254 = arith.constant 0 : index
      %swap3A_255 = vector.load %arg35[%swap3A_253, %swap3A_254] : memref<16x512xf32, #tpu.memory_space<vmem>>, vector<1x512xf32>
      tpu.vector_store %arg35[%swap3A_253, %swap3A_254], %add3A_252 {strides = array<i32>} : memref<16x512xf32, #tpu.memory_space<vmem>>, vector<1x512xf32>,
      %get3A_256 = arith.constant 0 : index
      %get3A_257 = arith.constant 0 : index
      %get3A_258 = vector.load %arg15[%get3A_256, %get3A_257] : memref<1x1024xf32, #tpu.memory_space<vmem>>, vector<1x1024xf32>
      %mul3A_259 = arith.constant 5.000000e-01 : f32
      %mul3A_260 = vector.broadcast %mul3A_259 : f32 to vector<1x1024xf32>
      %mul3A_261 = arith.mulf %get3A_258, %mul3A_260 : vector<1x1024xf32>
      %mul3A_262 = arith.constant 0.707106769 : f32
      %mul3A_263 = vector.broadcast %mul3A_262 : f32 to vector<1x1024xf32>
      %mul3A_264 = arith.mulf %get3A_258, %mul3A_263 : vector<1x1024xf32>
      %erf3A_265 = math.erf %mul3A_264 : vector<1x1024xf32>
      %add3A_266 = arith.constant 1.000000e+00 : f32
      %add3A_267 = vector.broadcast %add3A_266 : f32 to vector<1x1024xf32>
      %add3A_268 = arith.addf %add3A_267, %erf3A_265 : vector<1x1024xf32>
      %mul3A_269 = arith.mulf %mul3A_261, %add3A_268 : vector<1x1024xf32>
      %convert_element_type3A_270 = arith.truncf %mul3A_269 : vector<1x1024xf32> to vector<1x1024xbf16>
      %get3A_271 = arith.constant 0 : index
      %get3A_272 = arith.constant 0 : index
      %get3A_273 = vector.load %arg23[%get3A_271, %get3A_272] : memref<512x1024xbf16, #tpu.memory_space<vmem>>, vector<512x1024xbf16>
      %dot_general3A_274 = arith.constant dense<0.000000e+00> : vector<1x512xf32>
      %dot_general3A_275 = tpu.matmul %convert_element_type3A_270, %get3A_273, %dot_general3A_274 {dimension_numbers = #tpu.dot_dimension_numbers<[1], [1], [0], [0], [0, 0, 1, 0], [], []>, transpose_lhs_hint = false} : vector<1x1024xbf16>, vector<512x1024xbf16>, vector<1x512xf32> -> vector<1x512xf32>
      %get3A_276 = arith.constant 0 : index
      %get3A_277 = arith.constant 0 : index
      %get3A_278 = vector.load %arg31[%get3A_276, %get3A_277] : memref<1x512xf32, #tpu.memory_space<vmem>>, vector<1x512xf32>
      %add3A_279 = arith.addf %dot_general3A_275, %get3A_278 : vector<1x512xf32>
      %swap3A_280 = arith.constant 5 : index
      %swap3A_281 = arith.constant 0 : index
      %swap3A_282 = vector.load %arg35[%swap3A_280, %swap3A_281] : memref<16x512xf32, #tpu.memory_space<vmem>>, vector<1x512xf32>
      tpu.vector_store %arg35[%swap3A_280, %swap3A_281], %add3A_279 {strides = array<i32>} : memref<16x512xf32, #tpu.memory_space<vmem>>, vector<1x512xf32>,
      %get3A_283 = arith.constant 0 : index
      %get3A_284 = arith.constant 0 : index
      %get3A_285 = vector.load %arg16[%get3A_283, %get3A_284] : memref<1x2048xf32, #tpu.memory_space<vmem>>, vector<1x2048xf32>
      %mul3A_286 = arith.constant 5.000000e-01 : f32
      %mul3A_287 = vector.broadcast %mul3A_286 : f32 to vector<1x2048xf32>
      %mul3A_288 = arith.mulf %get3A_285, %mul3A_287 : vector<1x2048xf32>
      %mul3A_289 = arith.constant 0.707106769 : f32
      %mul3A_290 = vector.broadcast %mul3A_289 : f32 to vector<1x2048xf32>
      %mul3A_291 = arith.mulf %get3A_285, %mul3A_290 : vector<1x2048xf32>
      %erf3A_292 = math.erf %mul3A_291 : vector<1x2048xf32>
      %add3A_293 = arith.constant 1.000000e+00 : f32
      %add3A_294 = vector.broadcast %add3A_293 : f32 to vector<1x2048xf32>
      %add3A_295 = arith.addf %add3A_294, %erf3A_292 : vector<1x2048xf32>
      %mul3A_296 = arith.mulf %mul3A_288, %add3A_295 : vector<1x2048xf32>
      %convert_element_type3A_297 = arith.truncf %mul3A_296 : vector<1x2048xf32> to vector<1x2048xbf16>
      %get3A_298 = arith.constant 0 : index
      %get3A_299 = arith.constant 0 : index
      %get3A_300 = vector.load %arg24[%get3A_298, %get3A_299] : memref<512x2048xbf16, #tpu.memory_space<vmem>>, vector<512x2048xbf16>
      %dot_general3A_301 = arith.constant dense<0.000000e+00> : vector<1x512xf32>
      %dot_general3A_302 = tpu.matmul %convert_element_type3A_297, %get3A_300, %dot_general3A_301 {dimension_numbers = #tpu.dot_dimension_numbers<[1], [1], [0], [0], [0, 0, 1, 0], [], []>, transpose_lhs_hint = false} : vector<1x2048xbf16>, vector<512x2048xbf16>, vector<1x512xf32> -> vector<1x512xf32>
      %get3A_303 = arith.constant 0 : index
      %get3A_304 = arith.constant 0 : index
      %get3A_305 = vector.load %arg32[%get3A_303, %get3A_304] : memref<1x512xf32, #tpu.memory_space<vmem>>, vector<1x512xf32>
      %add3A_306 = arith.addf %dot_general3A_302, %get3A_305 : vector<1x512xf32>
      %swap3A_307 = arith.constant 6 : index
      %swap3A_308 = arith.constant 0 : index
      %swap3A_309 = vector.load %arg35[%swap3A_307, %swap3A_308] : memref<16x512xf32, #tpu.memory_space<vmem>>, vector<1x512xf32>
      tpu.vector_store %arg35[%swap3A_307, %swap3A_308], %add3A_306 {strides = array<i32>} : memref<16x512xf32, #tpu.memory_space<vmem>>, vector<1x512xf32>,
      %get3A_310 = arith.constant 0 : index
      %get3A_311 = arith.constant 0 : index
      %get3A_312 = vector.load %arg17[%get3A_310, %get3A_311] : memref<1x512xf32, #tpu.memory_space<vmem>>, vector<1x512xf32>
      %mul3A_313 = arith.constant 5.000000e-01 : f32
      %mul3A_314 = vector.broadcast %mul3A_313 : f32 to vector<1x512xf32>
      %mul3A_315 = arith.mulf %get3A_312, %mul3A_314 : vector<1x512xf32>
      %mul3A_316 = arith.constant 0.707106769 : f32
      %mul3A_317 = vector.broadcast %mul3A_316 : f32 to vector<1x512xf32>
      %mul3A_318 = arith.mulf %get3A_312, %mul3A_317 : vector<1x512xf32>
      %erf3A_319 = math.erf %mul3A_318 : vector<1x512xf32>
      %add3A_320 = arith.constant 1.000000e+00 : f32
      %add3A_321 = vector.broadcast %add3A_320 : f32 to vector<1x512xf32>
      %add3A_322 = arith.addf %add3A_321, %erf3A_319 : vector<1x512xf32>
      %mul3A_323 = arith.mulf %mul3A_315, %add3A_322 : vector<1x512xf32>
      %convert_element_type3A_324 = arith.truncf %mul3A_323 : vector<1x512xf32> to vector<1x512xbf16>
      %get3A_325 = arith.constant 0 : index
      %get3A_326 = arith.constant 0 : index
      %get3A_327 = vector.load %arg25[%get3A_325, %get3A_326] : memref<512x512xbf16, #tpu.memory_space<vmem>>, vector<512x512xbf16>
      %dot_general3A_328 = arith.constant dense<0.000000e+00> : vector<1x512xf32>
      %dot_general3A_329 = tpu.matmul %convert_element_type3A_324, %get3A_327, %dot_general3A_328 {dimension_numbers = #tpu.dot_dimension_numbers<[1], [1], [0], [0], [0, 0, 1, 0], [], []>, transpose_lhs_hint = false} : vector<1x512xbf16>, vector<512x512xbf16>, vector<1x512xf32> -> vector<1x512xf32>
      %get3A_330 = arith.constant 0 : index
      %get3A_331 = arith.constant 0 : index
      %get3A_332 = vector.load %arg33[%get3A_330, %get3A_331] : memref<1x512xf32, #tpu.memory_space<vmem>>, vector<1x512xf32>
      %add3A_333 = arith.addf %dot_general3A_329, %get3A_332 : vector<1x512xf32>
      %swap3A_334 = arith.constant 7 : index
      %swap3A_335 = arith.constant 0 : index
      %swap3A_336 = vector.load %arg35[%swap3A_334, %swap3A_335] : memref<16x512xf32, #tpu.memory_space<vmem>>, vector<1x512xf32>
      tpu.vector_store %arg35[%swap3A_334, %swap3A_335], %add3A_333 {strides = array<i32>} : memref<16x512xf32, #tpu.memory_space<vmem>>, vector<1x512xf32>,
      %get3A_337 = arith.constant 0 : index
      %get3A_338 = arith.constant 0 : index
      %get3A_339 = vector.load %arg35[%get3A_337, %get3A_338] : memref<16x512xf32, #tpu.memory_space<vmem>>, vector<8x512xf32>
      %get3A_340 = arith.constant 0 : index
      %get3A_341 = arith.constant 0 : index
      %get3A_342 = vector.load %arg7[%get3A_340, %get3A_341] : memref<8x16xf32, #tpu.memory_space<vmem>>, vector<1x8xf32>
      %gt3A = arith.constant 5.000000e-01 : f32
      %gt3A_343 = vector.broadcast %gt3A : f32 to vector<1x8xf32>
      %gt3A_344 = arith.cmpf ogt, %get3A_342, %gt3A_343 : vector<1x8xf32>
      %get3A_345 = arith.constant 0 : index
      %get3A_346 = arith.constant 8 : index
      %get3A_347 = vector.load %arg7[%get3A_345, %get3A_346] : memref<8x16xf32, #tpu.memory_space<vmem>>, vector<1x8xf32>
      %gt3A_348 = arith.constant 5.000000e-01 : f32
      %gt3A_349 = vector.broadcast %gt3A_348 : f32 to vector<1x8xf32>
      %gt3A_350 = arith.cmpf ogt, %get3A_347, %gt3A_349 : vector<1x8xf32>
      %transpose3A = tpu.transpose %gt3A_344, [1, 0] : vector<1x8xi1> -> vector<8x1xi1>
      %jit3A = arith.constant 0.000000e+00 : f32
      %broadcast_in_dim3A = vector.shape_cast %transpose3A : vector<8x1xi1> to vector<8x1xi1>
      %broadcast_in_dim3A_351 = vector.broadcast %broadcast_in_dim3A : vector<8x1xi1> to vector<8x512xi1>
      %broadcast_in_dim3A_352 = vector.broadcast %jit3A : f32 to vector<8x512xf32>
      %select_n3A = arith.select %broadcast_in_dim3A_351, %get3A_339, %broadcast_in_dim3A_352 : vector<8x512xi1>, vector<8x512xf32>
      %reduce_sum3A = arith.constant dense<0.000000e+00> : vector<512xf32>
      %reduce_sum3A_353 = vector.multi_reduction <add>, %select_n3A, %reduce_sum3A [0] : vector<8x512xf32> to vector<512xf32>
      %broadcast_in_dim3A_354 = vector.shape_cast %reduce_sum3A_353 : vector<512xf32> to vector<1x512xf32>
      %swap3A_355 = arith.constant 8 : index
      %swap3A_356 = arith.constant 0 : index
      %swap3A_357 = vector.load %arg35[%swap3A_355, %swap3A_356] : memref<16x512xf32, #tpu.memory_space<vmem>>, vector<1x512xf32>
      tpu.vector_store %arg35[%swap3A_355, %swap3A_356], %broadcast_in_dim3A_354 {strides = array<i32>} : memref<16x512xf32, #tpu.memory_space<vmem>>, vector<1x512xf32>,
      %transpose3A_358 = tpu.transpose %gt3A_350, [1, 0] : vector<1x8xi1> -> vector<8x1xi1>
      %jit3A_359 = arith.constant 0.000000e+00 : f32
      %broadcast_in_dim3A_360 = vector.shape_cast %transpose3A_358 : vector<8x1xi1> to vector<8x1xi1>
      %broadcast_in_dim3A_361 = vector.broadcast %broadcast_in_dim3A_360 : vector<8x1xi1> to vector<8x512xi1>
      %broadcast_in_dim3A_362 = vector.broadcast %jit3A_359 : f32 to vector<8x512xf32>
      %select_n3A_363 = arith.select %broadcast_in_dim3A_361, %get3A_339, %broadcast_in_dim3A_362 : vector<8x512xi1>, vector<8x512xf32>
      %reduce_sum3A_364 = arith.constant dense<0.000000e+00> : vector<512xf32>
      %reduce_sum3A_365 = vector.multi_reduction <add>, %select_n3A_363, %reduce_sum3A_364 [0] : vector<8x512xf32> to vector<512xf32>
      %broadcast_in_dim3A_366 = vector.shape_cast %reduce_sum3A_365 : vector<512xf32> to vector<1x512xf32>
      %swap3A_367 = arith.constant 9 : index
      %swap3A_368 = arith.constant 0 : index
      %swap3A_369 = vector.load %arg35[%swap3A_367, %swap3A_368] : memref<16x512xf32, #tpu.memory_space<vmem>>, vector<1x512xf32>
      tpu.vector_store %arg35[%swap3A_367, %swap3A_368], %broadcast_in_dim3A_366 {strides = array<i32>} : memref<16x512xf32, #tpu.memory_space<vmem>>, vector<1x512xf32>,
    } else {
    }
    %get3A = arith.constant 0 : index
    %get3A_2 = arith.constant 0 : index
    %get3A_3 = vector.load %arg3[%get3A, %get3A_2] : memref<512x16xf32, #tpu.memory_space<vmem>>, vector<512x16xf32>
    %get3A_4 = arith.constant 0 : index
    %get3A_5 = arith.constant 0 : index
    %get3A_6 = vector.load %arg4[%get3A_4, %get3A_5] : memref<512x8xf32, #tpu.memory_space<vmem>>, vector<512x8xf32>
    %slice3A = vector.extract_strided_slice %get3A_6 {offsets = [0, 2], sizes = [512, 1], strides = [1, 1]} : vector<512x8xf32> to vector<512x1xf32>
    %slice3A_7 = vector.extract_strided_slice %get3A_6 {offsets = [0, 3], sizes = [512, 1], strides = [1, 1]} : vector<512x8xf32> to vector<512x1xf32>
    %get3A_8 = arith.constant 0 : index
    %get3A_9 = arith.constant 0 : index
    %get3A_10 = vector.load %arg1[%get3A_8, %get3A_9] : memref<512x512xbf16, #tpu.memory_space<vmem>>, vector<512x512xbf16>
    %convert_element_type3A_11 = arith.extf %get3A_10 : vector<512x512xbf16> to vector<512x512xf32>
    %mul3A = vector.broadcast %slice3A : vector<512x1xf32> to vector<512x512xf32>
    %mul3A_12 = arith.mulf %mul3A, %convert_element_type3A_11 : vector<512x512xf32>
    %get3A_13 = arith.constant 0 : index
    %get3A_14 = arith.constant 0 : index
    %get3A_15 = vector.load %arg2[%get3A_13, %get3A_14] : memref<512x512xbf16, #tpu.memory_space<vmem>>, vector<512x512xbf16>
    %convert_element_type3A_16 = arith.extf %get3A_15 : vector<512x512xbf16> to vector<512x512xf32>
    %mul3A_17 = vector.broadcast %slice3A_7 : vector<512x1xf32> to vector<512x512xf32>
    %mul3A_18 = arith.mulf %mul3A_17, %convert_element_type3A_16 : vector<512x512xf32>
    %add3A = arith.addf %mul3A_12, %mul3A_18 : vector<512x512xf32>
    %slice3A_19 = vector.extract_strided_slice %get3A_3 {offsets = [0, 0], sizes = [512, 1], strides = [1, 1]} : vector<512x16xf32> to vector<512x1xf32>
    %get3A_20 = arith.constant 0 : index
    %get3A_21 = arith.constant 0 : index
    %get3A_22 = vector.load %arg35[%get3A_20, %get3A_21] : memref<16x512xf32, #tpu.memory_space<vmem>>, vector<1x512xf32>
    %mul3A_23 = vector.broadcast %slice3A_19 : vector<512x1xf32> to vector<512x512xf32>
    %mul3A_24 = vector.broadcast %get3A_22 : vector<1x512xf32> to vector<512x512xf32>
    %mul3A_25 = arith.mulf %mul3A_23, %mul3A_24 : vector<512x512xf32>
    %sub3A = arith.subf %add3A, %mul3A_25 : vector<512x512xf32>
    %slice3A_26 = vector.extract_strided_slice %get3A_3 {offsets = [0, 1], sizes = [512, 1], strides = [1, 1]} : vector<512x16xf32> to vector<512x1xf32>
    %get3A_27 = arith.constant 1 : index
    %get3A_28 = arith.constant 0 : index
    %get3A_29 = vector.load %arg35[%get3A_27, %get3A_28] : memref<16x512xf32, #tpu.memory_space<vmem>>, vector<1x512xf32>
    %mul3A_30 = vector.broadcast %slice3A_26 : vector<512x1xf32> to vector<512x512xf32>
    %mul3A_31 = vector.broadcast %get3A_29 : vector<1x512xf32> to vector<512x512xf32>
    %mul3A_32 = arith.mulf %mul3A_30, %mul3A_31 : vector<512x512xf32>
    %sub3A_33 = arith.subf %sub3A, %mul3A_32 : vector<512x512xf32>
    %slice3A_34 = vector.extract_strided_slice %get3A_3 {offsets = [0, 2], sizes = [512, 1], strides = [1, 1]} : vector<512x16xf32> to vector<512x1xf32>
    %get3A_35 = arith.constant 2 : index
    %get3A_36 = arith.constant 0 : index
    %get3A_37 = vector.load %arg35[%get3A_35, %get3A_36] : memref<16x512xf32, #tpu.memory_space<vmem>>, vector<1x512xf32>
    %mul3A_38 = vector.broadcast %slice3A_34 : vector<512x1xf32> to vector<512x512xf32>
    %mul3A_39 = vector.broadcast %get3A_37 : vector<1x512xf32> to vector<512x512xf32>
    %mul3A_40 = arith.mulf %mul3A_38, %mul3A_39 : vector<512x512xf32>
    %sub3A_41 = arith.subf %sub3A_33, %mul3A_40 : vector<512x512xf32>
    %slice3A_42 = vector.extract_strided_slice %get3A_3 {offsets = [0, 3], sizes = [512, 1], strides = [1, 1]} : vector<512x16xf32> to vector<512x1xf32>
    %get3A_43 = arith.constant 3 : index
    %get3A_44 = arith.constant 0 : index
    %get3A_45 = vector.load %arg35[%get3A_43, %get3A_44] : memref<16x512xf32, #tpu.memory_space<vmem>>, vector<1x512xf32>
    %mul3A_46 = vector.broadcast %slice3A_42 : vector<512x1xf32> to vector<512x512xf32>
    %mul3A_47 = vector.broadcast %get3A_45 : vector<1x512xf32> to vector<512x512xf32>
    %mul3A_48 = arith.mulf %mul3A_46, %mul3A_47 : vector<512x512xf32>
    %sub3A_49 = arith.subf %sub3A_41, %mul3A_48 : vector<512x512xf32>
    %slice3A_50 = vector.extract_strided_slice %get3A_3 {offsets = [0, 4], sizes = [512, 1], strides = [1, 1]} : vector<512x16xf32> to vector<512x1xf32>
    %get3A_51 = arith.constant 4 : index
    %get3A_52 = arith.constant 0 : index
    %get3A_53 = vector.load %arg35[%get3A_51, %get3A_52] : memref<16x512xf32, #tpu.memory_space<vmem>>, vector<1x512xf32>
    %mul3A_54 = vector.broadcast %slice3A_50 : vector<512x1xf32> to vector<512x512xf32>
    %mul3A_55 = vector.broadcast %get3A_53 : vector<1x512xf32> to vector<512x512xf32>
    %mul3A_56 = arith.mulf %mul3A_54, %mul3A_55 : vector<512x512xf32>
    %sub3A_57 = arith.subf %sub3A_49, %mul3A_56 : vector<512x512xf32>
    %slice3A_58 = vector.extract_strided_slice %get3A_3 {offsets = [0, 5], sizes = [512, 1], strides = [1, 1]} : vector<512x16xf32> to vector<512x1xf32>
    %get3A_59 = arith.constant 5 : index
    %get3A_60 = arith.constant 0 : index
    %get3A_61 = vector.load %arg35[%get3A_59, %get3A_60] : memref<16x512xf32, #tpu.memory_space<vmem>>, vector<1x512xf32>
    %mul3A_62 = vector.broadcast %slice3A_58 : vector<512x1xf32> to vector<512x512xf32>
    %mul3A_63 = vector.broadcast %get3A_61 : vector<1x512xf32> to vector<512x512xf32>
    %mul3A_64 = arith.mulf %mul3A_62, %mul3A_63 : vector<512x512xf32>
    %sub3A_65 = arith.subf %sub3A_57, %mul3A_64 : vector<512x512xf32>
    %slice3A_66 = vector.extract_strided_slice %get3A_3 {offsets = [0, 6], sizes = [512, 1], strides = [1, 1]} : vector<512x16xf32> to vector<512x1xf32>
    %get3A_67 = arith.constant 6 : index
    %get3A_68 = arith.constant 0 : index
    %get3A_69 = vector.load %arg35[%get3A_67, %get3A_68] : memref<16x512xf32, #tpu.memory_space<vmem>>, vector<1x512xf32>
    %mul3A_70 = vector.broadcast %slice3A_66 : vector<512x1xf32> to vector<512x512xf32>
    %mul3A_71 = vector.broadcast %get3A_69 : vector<1x512xf32> to vector<512x512xf32>
    %mul3A_72 = arith.mulf %mul3A_70, %mul3A_71 : vector<512x512xf32>
    %sub3A_73 = arith.subf %sub3A_65, %mul3A_72 : vector<512x512xf32>
    %slice3A_74 = vector.extract_strided_slice %get3A_3 {offsets = [0, 7], sizes = [512, 1], strides = [1, 1]} : vector<512x16xf32> to vector<512x1xf32>
    %get3A_75 = arith.constant 7 : index
    %get3A_76 = arith.constant 0 : index
    %get3A_77 = vector.load %arg35[%get3A_75, %get3A_76] : memref<16x512xf32, #tpu.memory_space<vmem>>, vector<1x512xf32>
    %mul3A_78 = vector.broadcast %slice3A_74 : vector<512x1xf32> to vector<512x512xf32>
    %mul3A_79 = vector.broadcast %get3A_77 : vector<1x512xf32> to vector<512x512xf32>
    %mul3A_80 = arith.mulf %mul3A_78, %mul3A_79 : vector<512x512xf32>
    %sub3A_81 = arith.subf %sub3A_73, %mul3A_80 : vector<512x512xf32>
    %slice3A_82 = vector.extract_strided_slice %get3A_3 {offsets = [0, 8], sizes = [512, 1], strides = [1, 1]} : vector<512x16xf32> to vector<512x1xf32>
    %slice3A_83 = vector.extract_strided_slice %get3A_3 {offsets = [0, 12], sizes = [512, 1], strides = [1, 1]} : vector<512x16xf32> to vector<512x1xf32>
    %get3A_84 = arith.constant 8 : index
    %get3A_85 = arith.constant 0 : index
    %get3A_86 = vector.load %arg35[%get3A_84, %get3A_85] : memref<16x512xf32, #tpu.memory_space<vmem>>, vector<1x512xf32>
    %mul3A_87 = vector.broadcast %slice3A_82 : vector<512x1xf32> to vector<512x512xf32>
    %mul3A_88 = vector.broadcast %get3A_86 : vector<1x512xf32> to vector<512x512xf32>
    %mul3A_89 = arith.mulf %mul3A_87, %mul3A_88 : vector<512x512xf32>
    %add3A_90 = arith.addf %sub3A_81, %mul3A_89 : vector<512x512xf32>
    %get3A_91 = arith.constant 9 : index
    %get3A_92 = arith.constant 0 : index
    %get3A_93 = vector.load %arg35[%get3A_91, %get3A_92] : memref<16x512xf32, #tpu.memory_space<vmem>>, vector<1x512xf32>
    %mul3A_94 = vector.broadcast %slice3A_83 : vector<512x1xf32> to vector<512x512xf32>
    %mul3A_95 = vector.broadcast %get3A_93 : vector<1x512xf32> to vector<512x512xf32>
    %mul3A_96 = arith.mulf %mul3A_94, %mul3A_95 : vector<512x512xf32>
    %add3A_97 = arith.addf %add3A_90, %mul3A_96 : vector<512x512xf32>
    %get3A_98 = arith.constant 0 : index
    %get3A_99 = arith.constant 0 : index
    %get3A_100 = vector.load %arg5[%get3A_98, %get3A_99] : memref<512x512xbf16, #tpu.memory_space<vmem>>, vector<512x512xbf16>
    %convert_element_type3A_101 = arith.extf %get3A_100 : vector<512x512xbf16> to vector<512x512xf32>
    %mul3A_102 = arith.constant 1.000000e-01 : f32
    %mul3A_103 = vector.broadcast %mul3A_102 : f32 to vector<512x512xf32>
    %mul3A_104 = arith.mulf %mul3A_103, %convert_element_type3A_101 : vector<512x512xf32>
    %add3A_105 = arith.addf %add3A_97, %mul3A_104 : vector<512x512xf32>
    %convert_element_type3A_106 = arith.truncf %add3A_105 : vector<512x512xf32> to vector<512x512xbf16>
    %get3A_107 = arith.constant 0 : index
    %get3A_108 = arith.constant 0 : index
    %get3A_109 = vector.load %arg8[%get3A_107, %get3A_108] : memref<1024x512xbf16, #tpu.memory_space<vmem>>, vector<1024x512xbf16>
    %dot_general3A = arith.constant dense<0.000000e+00> : vector<512x1024xf32>
    %dot_general3A_110 = tpu.matmul %convert_element_type3A_106, %get3A_109, %dot_general3A {dimension_numbers = #tpu.dot_dimension_numbers<[1], [1], [0], [0], [0, 0, 1, 0], [], []>, transpose_lhs_hint = false} : vector<512x512xbf16>, vector<1024x512xbf16>, vector<512x1024xf32> -> vector<512x1024xf32>
    %get3A_111 = arith.constant 0 : index
    %get3A_112 = arith.constant 0 : index
    %get3A_113 = vector.load %arg9[%get3A_111, %get3A_112] : memref<1x1024xf32, #tpu.memory_space<vmem>>, vector<1x1024xf32>
    %add3A_114 = vector.broadcast %get3A_113 : vector<1x1024xf32> to vector<512x1024xf32>
    %add3A_115 = arith.addf %dot_general3A_110, %add3A_114 : vector<512x1024xf32>
    %get3A_116 = arith.constant 0 : index
    %get3A_117 = arith.constant 0 : index
    %get3A_118 = vector.load %arg6[%get3A_116, %get3A_117] : memref<512x1024xf32, #tpu.memory_space<vmem>>, vector<512x1024xf32>
    %add3A_119 = arith.addf %add3A_115, %get3A_118 : vector<512x1024xf32>
    %swap3A = arith.constant 0 : index
    %swap3A_120 = arith.constant 0 : index
    %swap3A_121 = vector.load %arg34[%swap3A, %swap3A_120] : memref<512x1024xf32, #tpu.memory_space<vmem>>, vector<512x1024xf32>
    tpu.vector_store %arg34[%swap3A, %swap3A_120], %add3A_119 {strides = array<i32>} : memref<512x1024xf32, #tpu.memory_space<vmem>>, vector<512x1024xf32>,
    return
  }
  func.func @transform_0(%arg0: i32) -> (i32, i32) {
    %c0_i32 = arith.constant 0 : i32
    %c0_i32_0 = arith.constant 0 : i32
    return %arg0, %c0_i32 : i32, i32
  }
  func.func @transform_1(%arg0: i32) -> (i32, i32) {
    %c0_i32 = arith.constant 0 : i32
    %c0_i32_0 = arith.constant 0 : i32
    return %arg0, %c0_i32 : i32, i32
  }
  func.func @transform_2(%arg0: i32) -> (i32, i32) {
    %c0_i32 = arith.constant 0 : i32
    %c0_i32_0 = arith.constant 0 : i32
    return %arg0, %c0_i32 : i32, i32
  }
  func.func @transform_3(%arg0: i32) -> (i32, i32) {
    %c0_i32 = arith.constant 0 : i32
    %c0_i32_0 = arith.constant 0 : i32
    return %arg0, %c0_i32 : i32, i32
  }
  func.func @transform_4(%arg0: i32) -> (i32, i32) {
    %c0_i32 = arith.constant 0 : i32
    %c0_i32_0 = arith.constant 0 : i32
    return %arg0, %c0_i32 : i32, i32
  }
  func.func @transform_5(%arg0: i32) -> (i32, i32) {
    %c0_i32 = arith.constant 0 : i32
    %c0_i32_0 = arith.constant 0 : i32
    return %arg0, %c0_i32 : i32, i32
  }
  func.func @transform_6(%arg0: i32) -> (i32, i32) {
    %c0_i32 = arith.constant 0 : i32
    %c0_i32_0 = arith.constant 0 : i32
    %c0_i32_1 = arith.constant 0 : i32
    return %c0_i32, %c0_i32_0 : i32, i32
  }
  func.func @transform_7(%arg0: i32) -> (i32, i32) {
    %c0_i32 = arith.constant 0 : i32
    %c0_i32_0 = arith.constant 0 : i32
    %c0_i32_1 = arith.constant 0 : i32
    return %c0_i32, %c0_i32_0 : i32, i32
  }
  func.func @transform_8(%arg0: i32) -> (i32, i32) {
    %c0_i32 = arith.constant 0 : i32
    %c0_i32_0 = arith.constant 0 : i32
    %c0_i32_1 = arith.constant 0 : i32
    return %c0_i32, %c0_i32_0 : i32, i32
  }
  func.func @transform_9(%arg0: i32) -> (i32, i32) {
    %c0_i32 = arith.constant 0 : i32
    %c0_i32_0 = arith.constant 0 : i32
    %c0_i32_1 = arith.constant 0 : i32
    return %c0_i32, %c0_i32_0 : i32, i32
  }
  func.func @transform_10(%arg0: i32) -> (i32, i32) {
    %c0_i32 = arith.constant 0 : i32
    %c0_i32_0 = arith.constant 0 : i32
    %c0_i32_1 = arith.constant 0 : i32
    return %c0_i32, %c0_i32_0 : i32, i32
  }
  func.func @transform_11(%arg0: i32) -> (i32, i32) {
    %c0_i32 = arith.constant 0 : i32
    %c0_i32_0 = arith.constant 0 : i32
    %c0_i32_1 = arith.constant 0 : i32
    return %c0_i32, %c0_i32_0 : i32, i32
  }
  func.func @transform_12(%arg0: i32) -> (i32, i32) {
    %c0_i32 = arith.constant 0 : i32
    %c0_i32_0 = arith.constant 0 : i32
    %c0_i32_1 = arith.constant 0 : i32
    return %c0_i32, %c0_i32_0 : i32, i32
  }
  func.func @transform_13(%arg0: i32) -> (i32, i32) {
    %c0_i32 = arith.constant 0 : i32
    %c0_i32_0 = arith.constant 0 : i32
    %c0_i32_1 = arith.constant 0 : i32
    return %c0_i32, %c0_i32_0 : i32, i32
  }
  func.func @transform_14(%arg0: i32) -> (i32, i32) {
    %c0_i32 = arith.constant 0 : i32
    %c0_i32_0 = arith.constant 0 : i32
    %c0_i32_1 = arith.constant 0 : i32
    return %c0_i32, %c0_i32_0 : i32, i32
  }
  func.func @transform_15(%arg0: i32) -> (i32, i32) {
    %c0_i32 = arith.constant 0 : i32
    %c0_i32_0 = arith.constant 0 : i32
    %c0_i32_1 = arith.constant 0 : i32
    return %c0_i32, %c0_i32_0 : i32, i32
  }
  func.func @transform_16(%arg0: i32) -> (i32, i32) {
    %c0_i32 = arith.constant 0 : i32
    %c0_i32_0 = arith.constant 0 : i32
    %c0_i32_1 = arith.constant 0 : i32
    return %c0_i32, %c0_i32_0 : i32, i32
  }
  func.func @transform_17(%arg0: i32) -> (i32, i32) {
    %c0_i32 = arith.constant 0 : i32
    %c0_i32_0 = arith.constant 0 : i32
    %c0_i32_1 = arith.constant 0 : i32
    return %c0_i32, %c0_i32_0 : i32, i32
  }
  func.func @transform_18(%arg0: i32) -> (i32, i32) {
    %c0_i32 = arith.constant 0 : i32
    %c0_i32_0 = arith.constant 0 : i32
    %c0_i32_1 = arith.constant 0 : i32
    return %c0_i32, %c0_i32_0 : i32, i32
  }
  func.func @transform_19(%arg0: i32) -> (i32, i32) {
    %c0_i32 = arith.constant 0 : i32
    %c0_i32_0 = arith.constant 0 : i32
    %c0_i32_1 = arith.constant 0 : i32
    return %c0_i32, %c0_i32_0 : i32, i32
  }
  func.func @transform_20(%arg0: i32) -> (i32, i32) {
    %c0_i32 = arith.constant 0 : i32
    %c0_i32_0 = arith.constant 0 : i32
    %c0_i32_1 = arith.constant 0 : i32
    return %c0_i32, %c0_i32_0 : i32, i32
  }
  func.func @transform_21(%arg0: i32) -> (i32, i32) {
    %c0_i32 = arith.constant 0 : i32
    %c0_i32_0 = arith.constant 0 : i32
    %c0_i32_1 = arith.constant 0 : i32
    return %c0_i32, %c0_i32_0 : i32, i32
  }
  func.func @transform_22(%arg0: i32) -> (i32, i32) {
    %c0_i32 = arith.constant 0 : i32
    %c0_i32_0 = arith.constant 0 : i32
    %c0_i32_1 = arith.constant 0 : i32
    return %c0_i32, %c0_i32_0 : i32, i32
  }
  func.func @transform_23(%arg0: i32) -> (i32, i32) {
    %c0_i32 = arith.constant 0 : i32
    %c0_i32_0 = arith.constant 0 : i32
    %c0_i32_1 = arith.constant 0 : i32
    return %c0_i32, %c0_i32_0 : i32, i32
  }
  func.func @transform_24(%arg0: i32) -> (i32, i32) {
    %c0_i32 = arith.constant 0 : i32
    %c0_i32_0 = arith.constant 0 : i32
    %c0_i32_1 = arith.constant 0 : i32
    return %c0_i32, %c0_i32_0 : i32, i32
  }
  func.func @transform_25(%arg0: i32) -> (i32, i32) {
    %c0_i32 = arith.constant 0 : i32
    %c0_i32_0 = arith.constant 0 : i32
    %c0_i32_1 = arith.constant 0 : i32
    return %c0_i32, %c0_i32_0 : i32, i32
  }
  func.func @transform_26(%arg0: i32) -> (i32, i32) {
    %c0_i32 = arith.constant 0 : i32
    %c0_i32_0 = arith.constant 0 : i32
    %c0_i32_1 = arith.constant 0 : i32
    return %c0_i32, %c0_i32_0 : i32, i32
  }
  func.func @transform_27(%arg0: i32) -> (i32, i32) {
    %c0_i32 = arith.constant 0 : i32
    %c0_i32_0 = arith.constant 0 : i32
    %c0_i32_1 = arith.constant 0 : i32
    return %c0_i32, %c0_i32_0 : i32, i32
  }
  func.func @transform_28(%arg0: i32) -> (i32, i32) {
    %c0_i32 = arith.constant 0 : i32
    %c0_i32_0 = arith.constant 0 : i32
    %c0_i32_1 = arith.constant 0 : i32
    return %c0_i32, %c0_i32_0 : i32, i32
  }
  func.func @transform_29(%arg0: i32) -> (i32, i32) {
    %c0_i32 = arith.constant 0 : i32
    %c0_i32_0 = arith.constant 0 : i32
    %c0_i32_1 = arith.constant 0 : i32
    return %c0_i32, %c0_i32_0 : i32, i32
  }
  func.func @transform_30(%arg0: i32) -> (i32, i32) {
    %c0_i32 = arith.constant 0 : i32
    %c0_i32_0 = arith.constant 0 : i32
    %c0_i32_1 = arith.constant 0 : i32
    return %c0_i32, %c0_i32_0 : i32, i32
  }
  func.func @transform_31(%arg0: i32) -> (i32, i32) {
    %c0_i32 = arith.constant 0 : i32
    %c0_i32_0 = arith.constant 0 : i32
    %c0_i32_1 = arith.constant 0 : i32
    return %c0_i32, %c0_i32_0 : i32, i32
  }
  func.func @transform_32(%arg0: i32) -> (i32, i32) {
    %c0_i32 = arith.constant 0 : i32
    %c0_i32_0 = arith.constant 0 : i32
    %c0_i32_1 = arith.constant 0 : i32
    return %c0_i32, %c0_i32_0 : i32, i32
  }
  func.func @transform_33(%arg0: i32) -> (i32, i32) {
    %c0_i32 = arith.constant 0 : i32
    %c0_i32_0 = arith.constant 0 : i32
    return %arg0, %c0_i32 : i32, i32
  }
}

</mosaic_0001>

<sc_bundles>
// kernel: gather_offload_async_start.1
scs
__scs_entry_jumppad:
0x0: {  	(pc) =	sbr.rel $0x88, $3  }
0x1: {  	(tag) =	ssettag $0x0;
	lr =	simm.s32 $0x1  }
0x2: {  	[smem:$0x3F73] =	sst lr;
	_ =	strace $0xD0000000  }
0x3: {  	_ = 	snop  }
0x4: {  	_ = 	snop  }
0x5: {  	_ = 	snop  }
0x6: {  	_ = 	snop  }
0x7: {  	_ = 	snop  }
__scs_overlays_trampoline_lowered:
0x8: {  	[smem:$0x3F82] =	sst s0  }
0x9: {  	[smem:$0x3F83] =	sst s1  }
0xa: {  	[smem:$0x3F84] =	sst s2  }
0xb: {  	[smem:$0x3F85] =	sst s3  }
0xc: {  	[smem:$0x3F86] =	sst s4  }
0xd: {  	[smem:$0x3F87] =	sst s5  }
0xe: {  	[smem:$0x3F88] =	sst s6  }
0xf: {  	[smem:$0x3F89] =	sst s7  }
0x10: {  	[smem:$0x3F8A] =	sst s8  }
0x11: {  	[smem:$0x3F8B] =	sst s9;
	s0 =	simm.s32 @!p0 $0x0  }
0x12: {  	s1 =	sld [smem:$0x3F71];
	s0 =	simm.s32 @p0 $0x1  }
0x13: {  	[smem:$0x3F8C] =	sst s0;
	s0 =	simm.s32 @!p1 $0x0  }
0x14: {  	s2 =	sld [smem:$0x3F70];
	s0 =	simm.s32 @p1 $0x1  }
0x15: {  	[smem:$0x3F8D] =	sst s0;
	s0 =	simm.s32 @!p2 $0x0  }
0x16: {  	s3 =	sld [smem:$0x3FDB];
	s0 =	simm.s32 @p2 $0x1  }
0x17: {  	s4 =	simm.s32 $0x1BF5;
	[smem:$0x3F8F] =	sst s0  }
0x18: {  	s0 =	sld [smem:$0x3F72];
	_ =	swait.ge [sflag:s4], $0x0  }
0x19: {  	s7 =	sld [smem:$0x3F73]  }
0x1a: {  	s8 =	sadd.s32 $0xFFFFE003, lr  }
0x1b: {  	s9 =	sadd.s32 $0xFFFFFEF7, lr;
	s5 =	simm.s32 $0xFFFFFFFF;
	p2 =	slt.u32 s8, $0xFFFFF086  }
0x1c: {  	p1 =	slt.u32 s9, $0xF7A;
	s5 =	simm.s32 @!p2 $0x0  }
0x1d: {  	s5 =	simm.s32 @p1 $0x1;
	p0 =	seq.s32 s7, s2  }
0x1e: {  	s7 =	smul.u32 @!p0 $0xF7A, s2;
	p2 =	seq.s32 @!p0 s5, $0x0  }
0x1f: {  	s9 =	smul.u32 $0xF7A, s1;
	s8 =	simm.s32 @!p0 $0x1BF5;
	p2 =	por !p2, p0  }
0x20: {  	[sflag:s8] =	ssyncset.s32 @!p0 $0xFFFFF086;
	s6 =	sadd.s32 @!p0 s3, s7;
	s7 =	simm.s32 @!p0 $0x108  }
0x21: {  	s3 =	sadd.s32 s3, s9;
	s6 =	sadd.s32 @!p0 $0x88, s6;
	s7 =	simm.s32 @p2 $0x1082  }
0x22: {  	[simem:s7], [sflag:s8] =	dma.local @!p0 [hbm:s6], $0xF7A  }
0x23: {  	s9 =	sor.u32 $0xD0000000, s2;
	s6 =	simm.s32 $0x108;
	_ =	swait.ge @!p0 [sflag:s8], $0x0  }
0x24: {  	s3 =	sadd.s32 $0x88, s3;
	s6 =	simm.s32 @!p1 $0x1082;
	[sflag:s4] =	ssyncset.s32 $0xFFFFF086  }
0x25: {  	[simem:s6], [sflag:s4] =	dma.local [hbm:s3], $0xF7A  }
0x26: {  	[smem:$0x3F73] =	sst s1;
	(tag) =	ssettag s2;
	_ =	strace s9  }
0x27: {  	s1 =	sld [smem:$0x3F83]  }
0x28: {  	s2 =	sld [smem:$0x3F84]  }
0x29: {  	s4 =	sld [smem:$0x3F86]  }
0x2a: {  	p0 =	seq.s32 s5, $0x0;
	s5 =	sld [smem:$0x3F87]  }
0x2b: {  	s6 =	sld [smem:$0x3F88]  }
0x2c: {  	s7 =	sld [smem:$0x3F89]  }
0x2d: {  	s3 =	simm.s32 $0x108;
	s8 =	sld [smem:$0x3F8A]  }
0x2e: {  	s3 =	simm.s32 @!p0 $0x1082;
	s9 =	sld [smem:$0x3F8B]  }
0x2f: {  	lr =	sadd.s32 s0, s3;
	s0 =	sld [smem:$0x3F82]  }
0x30: {  	s3 =	sld [smem:$0x3F85]  }
0x31: {  	[smem:$0x3F8E] =	sst s10  }
0x32: {  	s10 =	sld [smem:$0x3F8C];
	_ =	sdelay $0x3  }
0x33: {  	p0 =	seq.s32 s10, $0x1;
	s10 =	sld [smem:$0x3F8E];
	_ =	sdelay $0x3  }
0x34: {  	[smem:$0x3F8E] =	sst s10  }
0x35: {  	s10 =	sld [smem:$0x3F8D];
	_ =	sdelay $0x3  }
0x36: {  	p1 =	seq.s32 s10, $0x1;
	s10 =	sld [smem:$0x3F8E];
	_ =	sdelay $0x3  }
0x37: {  	[smem:$0x3F8E] =	sst s10  }
0x38: {  	s10 =	sld [smem:$0x3F8F]  }
0x39: {  	_ = 	snop;
	(pc) =	sbr.ind lr, $3  }
0x3a: {  	_ = 	snop  }
0x3b: {  	_ = 	snop  }
0x3c: {  	p2 =	seq.s32 s10, $0x1;
	s10 =	sld [smem:$0x3F8E]  }
0x3d: {  	_ =	shalt  }
0x3e: {  	_ =	shalt  }
0x3f: {  	_ =	shalt  }
0x40: {  	_ =	shalt  }
0x41: {  	_ =	shalt  }
0x42: {  	_ =	shalt  }
0x43: {  	_ =	shalt  }
0x44: {  	_ =	shalt  }
0x45: {  	_ =	shalt  }
0x46: {  	_ =	shalt  }
0x47: {  	_ =	shalt  }
0x48: {  	_ =	shalt  }
0x49: {  	_ =	shalt  }
0x4a: {  	_ =	shalt  }
0x4b: {  	_ =	shalt  }
0x4c: {  	_ =	shalt  }
0x4d: {  	_ =	shalt  }
0x4e: {  	_ =	shalt  }
0x4f: {  	_ =	shalt  }
0x50: {  	_ =	shalt  }
0x51: {  	_ =	shalt  }
0x52: {  	_ =	shalt  }
0x53: {  	_ =	shalt  }
0x54: {  	_ =	shalt  }
0x55: {  	_ =	shalt  }
0x56: {  	_ =	shalt  }
0x57: {  	_ =	shalt  }
0x58: {  	_ =	shalt  }
0x59: {  	_ =	shalt  }
0x5a: {  	_ =	shalt  }
0x5b: {  	_ =	shalt  }
0x5c: {  	_ =	shalt  }
0x5d: {  	_ =	shalt  }
0x5e: {  	_ =	shalt  }
0x5f: {  	_ =	shalt  }
0x60: {  	_ =	shalt  }
0x61: {  	_ =	shalt  }
0x62: {  	_ =	shalt  }
0x63: {  	_ =	shalt  }
0x64: {  	_ =	shalt  }
0x65: {  	_ =	shalt  }
0x66: {  	_ =	shalt  }
0x67: {  	_ =	shalt  }
0x68: {  	_ =	shalt  }
0x69: {  	_ =	shalt  }
0x6a: {  	_ =	shalt  }
0x6b: {  	_ =	shalt  }
0x6c: {  	_ =	shalt  }
0x6d: {  	_ =	shalt  }
0x6e: {  	_ =	shalt  }
0x6f: {  	_ =	shalt  }
0x70: {  	_ =	shalt  }
0x71: {  	_ =	shalt  }
0x72: {  	_ =	shalt  }
0x73: {  	_ =	shalt  }
0x74: {  	_ =	shalt  }
0x75: {  	_ =	shalt  }
0x76: {  	_ =	shalt  }
0x77: {  	_ =	shalt  }
0x78: {  	_ =	shalt  }
0x79: {  	_ =	shalt  }
0x7a: {  	_ =	shalt  }
0x7b: {  	_ =	shalt  }
0x7c: {  	_ =	shalt  }
0x7d: {  	_ =	shalt  }
0x7e: {  	_ =	shalt  }
0x7f: {  	_ =	shalt  }
0x80: {  	_ =	shalt  }
0x81: {  	_ =	shalt  }
0x82: {  	_ =	shalt  }
0x83: {  	_ =	shalt  }
0x84: {  	_ =	shalt  }
0x85: {  	_ =	shalt  }
0x86: {  	_ =	shalt  }
0x87: {  	_ =	shalt  }
.Lfunc_end0:
.L_simem_size_0:
called_computation.1_lowered:
.L_overlay_start_0:
0x88: {  	s2 =	sld [smem:$0x3FD9]  }
0x89: {  	s3 =	sld [smem:$0x3FFE];
	_ =	sdelay $0x1  }
0x8a: {  	s1 =	srdreg.scid  }
0x8b: {  	s0 =	sand.u32 $0x1, s1  }
0x8c: {  	s17 =	sshll.u32 s0, $0xA;
	s2 =	sadd.s32 s3, s2  }
0x8d: {  	s2 =	sadd.s32 s2, s17  }
0x8e: {  	[smem:$0x3F9A] =	sst s2  }
0x8f: {  	_ = 	snop  }
0x90: {  	s18 =	sld [smem:$0x3FD0];
	(tm) =	ssettm $0x1  }
0x91: {  	s19 =	sld [smem:$0x3FFB];
	_ =	sdelay $0x3  }
0x92: {  	_ =	strace s19  }
0x93: {  	s2 =	sld [smem:$0x3FFC];
	_ =	sdelay $0x3  }
0x94: {  	_ =	strace s2  }
0x95: {  	s2 =	sld [smem:$0x3FFD];
	_ =	sdelay $0x3  }
0x96: {  	_ =	strace s2  }
0x97: {  	_ =	strace $0x8FFFFFFF  }
0x98: {  	s20 =	sld [smem:$0x3FDB];
	_ =	sdelay $0x1  }
0x99: {  	s4 =	simm.s32 $_scs_section_size  }
0x9a: {  	s5 =	simm.s32 $_size__tile_overlayer_lowered;
	s6 =	simm.s32 $_tile_overlayer_lowered  }
0x9b: {  	s7 =	simm.s32 $0x1BFF;
	s21 =	sshll.u32 s6, $0x1;
	s4 =	sadd.s32 s4, s20  }
0x9c: {  	s22 =	simm.s32 $0x0;
	s5 =	sshll.u32 s5, $0x1;
	s6 =	sadd.s32 s21, s4  }
0x9d: {  	[timem:s22], [sflag:s7] =	dma.local [hbm:s6], s5  }
0x9e: {  	_ =	swait.ge [sflag:s7], s5  }
0x9f: {  	s5 =	ssub.s32 $0x0, s5;
	[sflag:s7] =	ssyncset.done $0x0  }
0xa0: {  	[sflag:s7] =	ssyncadd.s32 s5;
	_ =	sdelay $0x1  }
0xa1: {  	s23 =	simm.s32 $0x1B8B  }
0xa2: {  	_ =	swait.ge [sflag:s23], $0x1  }
0xa3: {  	[sflag:s23] =	ssyncset.done $0x0  }
0xa4: {  	[sflag:s23] =	ssyncadd.s32 $0xFFFFFFFF  }
0xa5: {  	s5 =	sld [smem:$0x0]  }
0xa6: {  	s6 =	sand.u32 $0xFFFFFFFE, s1  }
0xa7: {  	p0 =	sne.s32 s1, s6  }
0xa8: {  	s6 =	sshll.u32 @p0 s6, $0xE  }
0xa9: {  	s6 =	sadd.s32 @p0 $0x11B8D, s6;
	s7 =	sshll.u32 @p0 s5, $0x11  }
0xaa: {  	s6 =	sor.u32 @p0 s7, s6  }
0xab: {  	[sflag:s6] =	ssyncadd.remote.s32 @p0 $0x1;
	_ =	sdelay $0x1  }
0xac: {  	s6 =	simm.s32 @p0 $0x1B8D  }
0xad: {  	_ =	swait.eq @p0 [sflag:s6], $0x1  }
0xae: {  	[sflag:s6] =	ssyncadd.s32 @p0 $0xFFFFFFFF  }
0xaf: {  	s7 =	sshll.u32 @!p0 s1, $0xE  }
0xb0: {  	s7 =	sor.u32 @!p0 $0x4000, s7;
	s6 =	simm.s32 @!p0 $0x1B8D  }
0xb1: {  	s5 =	sshll.u32 @!p0 s5, $0x11;
	s7 =	sadd.s32 @!p0 $0x11B8D, s7;
	_ =	swait.eq @!p0 [sflag:s6], $0x1  }
0xb2: {  	s5 =	sor.u32 @!p0 s5, s7;
	[sflag:s6] =	ssyncadd.s32 @!p0 $0xFFFFFFFF  }
0xb3: {  	s25 =	simm.s32 $0x1B8E;
	s24 =	sld [smem:$0x3FFE];
	[sflag:s5] =	ssyncadd.remote.s32 @!p0 $0x1  }
0xb4: {  	s26 =	simm.s32 $execute0_lowered;
	[smem:$0x3FD2] =	sst s25  }
0xb5: {  	s6 =	sshll.u32 s26, $0x1;
	_ =	strace $0x80000049;
	[dreg:$0x1] =	wrdreg $0xFFFFFFFF  }
0xb6: {  	s28 =	simm.s32 $_size_execute0_lowered;
	s4 =	sadd.s32 s4, s6;
	[dreg:$0x0] =	wrdreg $0x0  }
0xb7: {  	s6 =	sshll.u32 s28, $0x1;
	[dreg:$0x2] =	wrdreg s4  }
0xb8: {  	[dreg:$0x3] =	wrdreg s6  }
0xb9: {  	[dreg:$0x4] =	wrdreg $0xC0  }
0xba: {  	_ =	task [dreg:s22], $0x5FFFF  }
0xbb: {  	[dreg:$0x1] =	wrdreg $0xFFFFFFFF  }
0xbc: {  	[dreg:$0x0] =	wrdreg $0x60  }
0xbd: {  	[dreg:$0x2] =	wrdreg s18  }
0xbe: {  	[dreg:$0x3] =	wrdreg s24  }
0xbf: {  	[dreg:$0x4] =	wrdreg $0xA  }
0xc0: {  	_ =	task.clear_ibuf [dreg:s22], $0x5FFFF;
	_ =	strace $0x90000049  }
0xc1: {  	s29 =	simm.s32 $0xA;
	_ =	strace $0x8000004B  }
0xc2: {  	_ =	swait.ge [sflag:s29], $0x1  }
0xc3: {  	[sflag:s29] =	ssyncadd.s32 $0xFFFFFFFF  }
0xc4: {  	_ =	strace $0x9000004B  }
0xc5: {  	_ =	sfence  }
0xc6: {  	s30 =	sld [smem:$0x0];
	_ =	sdelay $0x2  }
0xc7: {  	s31 =	sshll.u32 s1, $0xD;
	s1 =	sshrl.u32 s1, $0x2  }
0xc8: {  	s4 =	sand.u32 $0x4000, s31;
	s1 =	sadd.s32 s1, s30  }
0xc9: {  	s0 =	sor.u32 s4, s0;
	s1 =	sshll.u32 s1, $0x11  }
0xca: {  	s0 =	sor.u32 s1, s0  }
0xcb: {  	s0 =	sadd.s32 $0x8F2B, s0  }
0xcc: {  	[sflag:s0] =	ssyncadd.remote.s32 $0x1  }
0xcd: {  	_ =	sfence.sel $0xFFFF  }
0xce: {  	[dreg:$0x0] =	wrdreg $0xFFFFFFFF;
	(pc) =	sbr.abs _section_cstart, $3  }
0xcf: {  	[dreg:$0x1] =	wrdreg $0xFFFFFFFF  }
0xd0: {  	_ =	task.clear_ibuf [dreg:s22], $0x2FFFF;
	_ =	strace $0x9FFFFFFF  }
0xd1: {  	(tm) =	ssettm $0x7FFFFFFF  }
tec
execute0_lowered:
.L_overlay_start_1:
0x0: {  	(tag) =	ssettag $0x1  }
0x1: {  	s2 =	rddreg [dreg:$0x0]  }
0x2: {  	s7 =	rddreg [dreg:$0x1]  }
0x3: {  	s0 =	rddreg [dreg:$0x2]  }
0x4: {  	s1 =	srdreg.scid;
	_ =	strace $0x8000004A;
	s4 =	simm.s32 $0x1  }
0x5: {  	s9 =	simm.s32 $0x3;
	s12 =	simm.s32 $0x0;
	s5 =	sshll.u32 s1, $0x4  }
.Ltmp0:
0x6: {  	s1 =	stileid.u32;
	s5 =	sand.u32 $0x10, s5;
	(pc) =	sbr.rel .LBB2_1-.Ltmp0, $4  }
0x7: {  	s10 =	simm.s32 $0x0;
	s3 =	sadd.s32 $0x66E00, s7;
	s6 =	sor.u32 s1, s5  }
0x8: {  	[sflag:s4] =	ssyncpa.u1 $0x0;
	s5 =	simm.s32 $0x2;
	s6 =	sshll.u32 s6, $0x6  }
0x9: {  	s7 =	sadd.s32 $0x77000, s7;
	[sflag:s5] =	ssyncpa.u1 $0x0;
	s8 =	sadd.s32 $0x40, s6  }
0xa: {  	vm0 =	vmmov $0xff;
	vm1 =	vcmask $0x3F20;
	[sflag:s9] =	ssyncpa.u1 $0x0;
	s9 =	simm.s32 $0x40;
	s11 =	smov.u32 s6  }
.LBB2_10:
0xb: {  	[hbm:s16] =	stream.linear.scatter [tilespmem:s13], [sflag:$0x3], $0x800, $0x38;
	[tilespmem:$0x8080] =	vst v63  }
.LBB2_11:
0xc: {  	p0 =	seq.s32 s10, $0x2  }
.Ltmp1:
0xd: {  	_ = 	snop;
	(pc) =	sbr.rel @p0 .LBB2_13-.Ltmp1, $1  }
0xe: {  	_ =	sdelay $0x3  }
.LBB2_12:
0xf: {  	s12 =	sadd.s32 $0x40, s11  }
0x10: {  	s13 =	smov.u32 s6;
	p0 =	slt.s32 s12, s8  }
0x11: {  	s13 =	smov.u32 @p0 s12  }
0x12: {  	s10 =	sadd.s32 $0x1, s10;
	s12 =	smov.u32 s11;
	s11 =	smov.u32 s13  }
.LBB2_1:
0x13: {  	p0 =	sne.s32 s10, $0x0  }
.Ltmp2:
0x14: {  	_ = 	snop;
	(pc) =	sbr.rel @!p0 .LBB2_2-.Ltmp2, $1  }
0x15: {  	_ =	sdelay $0x3  }
0x16: {  	s13 =	sand.u32 $0x1, s10  }
0x17: {  	p0 =	seq.s32 s13, $0x0  }
.Ltmp3:
0x18: {  	_ = 	snop;
	(pc) =	sbr.rel @p0 .LBB2_11-.Ltmp3, $1  }
0x19: {  	_ =	sdelay $0x3  }
0x1a: {  	_ =	swait.ge [sflag:s5], $0x40  }
0x1b: {  	[sflag:s5] =	ssyncset.done $0x0  }
0x1c: {  	s13 =	simm.s32 $0x0;
	[sflag:s5] =	ssyncadd.s32 $0xFFFFFFC0  }
.LBB2_5:
0x1d: {  	s14 =	sshll.u32 s13, $0x4  }
0x1e: {  	s14 =	sand.u32 $0x3FFFFFF0, s14  }
0x1f: {  	v0 =	vld.msk [tilespmem:s14+$0x40 ss:$0x1], $0xffff;
	_ =	sdelay $0x4  }
0x20: {  	vm2 =	vgt.s32 v0, $0x0  }
0x21: {  	v0 =	vnsel vm2, $0x0, v0  }
0x22: {  	v0 =	vmin.u32 v0, $0x13FF  }
0x23: {  	s31 =	sshll.u32 s13, $0xC;
	v1 =	vshll.u32 v0, $0x5;
	v0 =	vshll.u32 v0, $0x4  }
0x24: {  	s14 =	sand.u32 $0x3FFFF000, s31;
	v1 =	vand.u32 $0x3FF00, v1;
	v0 =	vand.u32 $0x70, v0  }
0x25: {  	p0 =	por $0x1, $0x1;
	s15 =	simm.s32 $0x0;
	s14 =	sadd.s32 $0x4080, s14;
	v0 =	vor.u32 v0, v1  }
.LBB2_6:
0x26: {  	_ =	sdelay $0x1  }
0x27: {  	s15 =	sshra.s32 s15, $0x2;
	p1 =	por p0, p0  }
.Ltmp4:
0x28: {  	s15 =	sadd.s32 s15, s14;
	(pc) =	sbr.rel @p1 .LBB2_6-.Ltmp4, $4  }
0x29: {  	[tilespmem:s15], [sflag:$0x1] =	stream.indirect_vreg.gather [hbm:s2], $0x80, v0, vm0, $0x38;
	[tilespmem:$0x8080] =	vst v63  }
0x2a: {  	s15 =	sadd.s32 $0x800, s15  }
0x2b: {  	[tilespmem:s15], [sflag:$0x1] =	stream.indirect_vreg.gather [hbm:s2], $0x80, v0, vm1, $0x38;
	[tilespmem:$0x8080] =	vst v63  }
0x2c: {  	p0 =	por $0x0, $0x0;
	v0 =	vadd.s32 $0x80, v0;
	s15 =	simm.s32 $0x1000  }
0x2d: {  	s13 =	sadd.s32 $0x1, s13  }
0x2e: {  	p0 =	sne.s32 s13, $0x4  }
.Ltmp5:
0x2f: {  	_ = 	snop;
	(pc) =	sbr.rel @p0 .LBB2_5-.Ltmp5, $1  }
0x30: {  	_ =	sdelay $0x3  }
0x31: {  	s13 =	sshll.u32 s12, $0x5  }
0x32: {  	_ =	swait.ge [sflag:s4], $0x4000;
	s31 =	sshll.u32 s12, $0x4;
	s13 =	sand.u32 $0xFFFFFF00, s13  }
0x33: {  	s14 =	simm.s32 $0x100;
	s12 =	sand.u32 $0x70, s31;
	s13 =	sadd.s32 s13, s7  }
0x34: {  	s15 =	simm.s32 $0x4880;
	[sflag:s4] =	ssyncset.done $0x0;
	s12 =	sadd.s32 s12, s13  }
0x35: {  	[sflag:s4] =	ssyncadd.s32 $0xFFFFC000;
	s13 =	simm.s32 $0x4080;
	s16 =	sadd.s32 $0x0, s12  }
.LBB2_9:
0x36: {  	[hbm:s16] =	stream.linear.scatter [tilespmem:s13], [sflag:$0x3], $0x800, $0x38;
	[tilespmem:$0x8080] =	vst v63  }
0x37: {  	s16 =	smov.u32 s14;
	s13 =	smov.u32 s15;
	p0 =	sne.s32 s14, $0x700  }
.Ltmp6:
0x38: {  	s14 =	sadd.s32 $0x100, s14;
	(pc) =	sbr.rel @p0 .LBB2_9-.Ltmp6, $2  }
0x39: {  	_ =	sdelay $0x2  }
0x3a: {  	s15 =	sadd.s32 $0x800, s15;
	s16 =	sadd.s32 s16, s12  }
.Ltmp7:
0x3b: {  	_ = 	snop;
	(pc) =	sbr.rel .LBB2_10-.Ltmp7, $1  }
0x3c: {  	_ =	sdelay $0x3  }
.LBB2_2:
.Ltmp8:
0x3d: {  	(pc) =	sbr.rel .LBB2_12-.Ltmp8, $4  }
0x3e: {  	_ = 	snop  }
0x3f: {  	s12 =	sshrl.u32 s11, $0x3  }
0x40: {  	s13 =	sand.u32 $0x7, s11;
	s12 =	sadd.s32 s3, s12  }
0x41: {  	[tilespmem:s9], [sflag:$0x2] =	stream.linear.gather [hbm4b:s12+s13], $0x40, $0x38;
	[tilespmem:$0x8080] =	vst v63  }
.LBB2_13:
0x42: {  	s2 =	simm.s32 $0x3  }
0x43: {  	_ =	swait.ge [sflag:s2], $0x4000  }
0x44: {  	[sflag:s2] =	ssyncset.done $0x0  }
0x45: {  	[sflag:s2] =	ssyncadd.s32 $0xFFFFC000  }
0x46: {  	_ =	sfence.sel $0x180000  }
0x47: {  	s3 =	simm.s32 $0x2;
	[bflag:$0x0] =	sbarrier.arrive $0xFFFF  }
0x48: {  	[sflag:s3] =	ssyncpa.u1 $0x1  }
0x49: {  	s31 =	simm.s32 $0x1;
	[sflag:s2] =	ssyncpa.u1 $0x1  }
0x4a: {  	[sflag:s31] =	ssyncpa.u1 $0x1  }
0x4b: {  	p0 =	sne.s32 s1, $0x0;
	_ =	strace $0x9000004A  }
0x4c: {  	s0 =	sadd.s32 @!p0 $0x100000, s0;
	[bflag:$0x2] =	sbarrier.arrive $0xFFFF  }
0x4d: {  	[sflag:s0] =	ssyncadd.tile.s32 @!p0 $0x1;
	_ =	shalt  }
.Lfunc_end2:
_tile_overlayer_lowered:
.L_overlay_start_2:
0x4e: {  	(tag) =	ssettag $0x2  }
0x4f: {  	s0 =	rddreg [dreg:$0x0];
	s2 =	stileid.u32  }
0x50: {  	s1 =	rddreg [dreg:$0x1];
	p0 =	sne.s32 s2, $0x0  }
0x51: {  	s3 =	rddreg [dreg:$0x2];
	[bflag:$0x3] =	sbarrier.arrive $0xFFFF;
	s2 =	simm.s32 @!p0 $0x1C01  }
0x52: {  	[timem:s3], [sflag:s2] =	dma.local @!p0 [hbm:s0], s1  }
0x53: {  	s0 =	simm.s32 @!p0 $0x1  }
0x54: {  	_ =	swait.ge @!p0 [sflag:s0], s1  }
0x55: {  	s1 =	ssub.s32 @!p0 $0x0, s1;
	[sflag:s0] =	ssyncset.done @!p0 $0x0  }
0x56: {  	[sflag:s0] =	ssyncadd.s32 @!p0 s1  }
0x57: {  	[bflag:$0x3] =	sbarrier.arrive $0xFFFF  }
0x58: {  	_ =	shalt  }

// kernel: gather_offload_async_start
scs
__scs_entry_jumppad:
0x0: {  	(pc) =	sbr.rel $0x88, $3  }
0x1: {  	(tag) =	ssettag $0x0;
	lr =	simm.s32 $0x1  }
0x2: {  	[smem:$0x3F73] =	sst lr;
	_ =	strace $0xD0000000  }
0x3: {  	_ = 	snop  }
0x4: {  	_ = 	snop  }
0x5: {  	_ = 	snop  }
0x6: {  	_ = 	snop  }
0x7: {  	_ = 	snop  }
__scs_overlays_trampoline_lowered:
0x8: {  	[smem:$0x3F82] =	sst s0  }
0x9: {  	[smem:$0x3F83] =	sst s1  }
0xa: {  	[smem:$0x3F84] =	sst s2  }
0xb: {  	[smem:$0x3F85] =	sst s3  }
0xc: {  	[smem:$0x3F86] =	sst s4  }
0xd: {  	[smem:$0x3F87] =	sst s5  }
0xe: {  	[smem:$0x3F88] =	sst s6  }
0xf: {  	[smem:$0x3F89] =	sst s7  }
0x10: {  	[smem:$0x3F8A] =	sst s8  }
0x11: {  	[smem:$0x3F8B] =	sst s9;
	s0 =	simm.s32 @!p0 $0x0  }
0x12: {  	s1 =	sld [smem:$0x3F71];
	s0 =	simm.s32 @p0 $0x1  }
0x13: {  	[smem:$0x3F8C] =	sst s0;
	s0 =	simm.s32 @!p1 $0x0  }
0x14: {  	s2 =	sld [smem:$0x3F70];
	s0 =	simm.s32 @p1 $0x1  }
0x15: {  	[smem:$0x3F8D] =	sst s0;
	s0 =	simm.s32 @!p2 $0x0  }
0x16: {  	s3 =	sld [smem:$0x3FDB];
	s0 =	simm.s32 @p2 $0x1  }
0x17: {  	s4 =	simm.s32 $0x1BF5;
	[smem:$0x3F8F] =	sst s0  }
0x18: {  	s0 =	sld [smem:$0x3F72];
	_ =	swait.ge [sflag:s4], $0x0  }
0x19: {  	s7 =	sld [smem:$0x3F73]  }
0x1a: {  	s8 =	sadd.s32 $0xFFFFE003, lr  }
0x1b: {  	s9 =	sadd.s32 $0xFFFFFEF7, lr;
	s5 =	simm.s32 $0xFFFFFFFF;
	p2 =	slt.u32 s8, $0xFFFFF086  }
0x1c: {  	p1 =	slt.u32 s9, $0xF7A;
	s5 =	simm.s32 @!p2 $0x0  }
0x1d: {  	s5 =	simm.s32 @p1 $0x1;
	p0 =	seq.s32 s7, s2  }
0x1e: {  	s7 =	smul.u32 @!p0 $0xF7A, s2;
	p2 =	seq.s32 @!p0 s5, $0x0  }
0x1f: {  	s9 =	smul.u32 $0xF7A, s1;
	s8 =	simm.s32 @!p0 $0x1BF5;
	p2 =	por !p2, p0  }
0x20: {  	[sflag:s8] =	ssyncset.s32 @!p0 $0xFFFFF086;
	s6 =	sadd.s32 @!p0 s3, s7;
	s7 =	simm.s32 @!p0 $0x108  }
0x21: {  	s3 =	sadd.s32 s3, s9;
	s6 =	sadd.s32 @!p0 $0x88, s6;
	s7 =	simm.s32 @p2 $0x1082  }
0x22: {  	[simem:s7], [sflag:s8] =	dma.local @!p0 [hbm:s6], $0xF7A  }
0x23: {  	s9 =	sor.u32 $0xD0000000, s2;
	s6 =	simm.s32 $0x108;
	_ =	swait.ge @!p0 [sflag:s8], $0x0  }
0x24: {  	s3 =	sadd.s32 $0x88, s3;
	s6 =	simm.s32 @!p1 $0x1082;
	[sflag:s4] =	ssyncset.s32 $0xFFFFF086  }
0x25: {  	[simem:s6], [sflag:s4] =	dma.local [hbm:s3], $0xF7A  }
0x26: {  	[smem:$0x3F73] =	sst s1;
	(tag) =	ssettag s2;
	_ =	strace s9  }
0x27: {  	s1 =	sld [smem:$0x3F83]  }
0x28: {  	s2 =	sld [smem:$0x3F84]  }
0x29: {  	s4 =	sld [smem:$0x3F86]  }
0x2a: {  	p0 =	seq.s32 s5, $0x0;
	s5 =	sld [smem:$0x3F87]  }
0x2b: {  	s6 =	sld [smem:$0x3F88]  }
0x2c: {  	s7 =	sld [smem:$0x3F89]  }
0x2d: {  	s3 =	simm.s32 $0x108;
	s8 =	sld [smem:$0x3F8A]  }
0x2e: {  	s3 =	simm.s32 @!p0 $0x1082;
	s9 =	sld [smem:$0x3F8B]  }
0x2f: {  	lr =	sadd.s32 s0, s3;
	s0 =	sld [smem:$0x3F82]  }
0x30: {  	s3 =	sld [smem:$0x3F85]  }
0x31: {  	[smem:$0x3F8E] =	sst s10  }
0x32: {  	s10 =	sld [smem:$0x3F8C];
	_ =	sdelay $0x3  }
0x33: {  	p0 =	seq.s32 s10, $0x1;
	s10 =	sld [smem:$0x3F8E];
	_ =	sdelay $0x3  }
0x34: {  	[smem:$0x3F8E] =	sst s10  }
0x35: {  	s10 =	sld [smem:$0x3F8D];
	_ =	sdelay $0x3  }
0x36: {  	p1 =	seq.s32 s10, $0x1;
	s10 =	sld [smem:$0x3F8E];
	_ =	sdelay $0x3  }
0x37: {  	[smem:$0x3F8E] =	sst s10  }
0x38: {  	s10 =	sld [smem:$0x3F8F]  }
0x39: {  	_ = 	snop;
	(pc) =	sbr.ind lr, $3  }
0x3a: {  	_ = 	snop  }
0x3b: {  	_ = 	snop  }
0x3c: {  	p2 =	seq.s32 s10, $0x1;
	s10 =	sld [smem:$0x3F8E]  }
0x3d: {  	_ =	shalt  }
0x3e: {  	_ =	shalt  }
0x3f: {  	_ =	shalt  }
0x40: {  	_ =	shalt  }
0x41: {  	_ =	shalt  }
0x42: {  	_ =	shalt  }
0x43: {  	_ =	shalt  }
0x44: {  	_ =	shalt  }
0x45: {  	_ =	shalt  }
0x46: {  	_ =	shalt  }
0x47: {  	_ =	shalt  }
0x48: {  	_ =	shalt  }
0x49: {  	_ =	shalt  }
0x4a: {  	_ =	shalt  }
0x4b: {  	_ =	shalt  }
0x4c: {  	_ =	shalt  }
0x4d: {  	_ =	shalt  }
0x4e: {  	_ =	shalt  }
0x4f: {  	_ =	shalt  }
0x50: {  	_ =	shalt  }
0x51: {  	_ =	shalt  }
0x52: {  	_ =	shalt  }
0x53: {  	_ =	shalt  }
0x54: {  	_ =	shalt  }
0x55: {  	_ =	shalt  }
0x56: {  	_ =	shalt  }
0x57: {  	_ =	shalt  }
0x58: {  	_ =	shalt  }
0x59: {  	_ =	shalt  }
0x5a: {  	_ =	shalt  }
0x5b: {  	_ =	shalt  }
0x5c: {  	_ =	shalt  }
0x5d: {  	_ =	shalt  }
0x5e: {  	_ =	shalt  }
0x5f: {  	_ =	shalt  }
0x60: {  	_ =	shalt  }
0x61: {  	_ =	shalt  }
0x62: {  	_ =	shalt  }
0x63: {  	_ =	shalt  }
0x64: {  	_ =	shalt  }
0x65: {  	_ =	shalt  }
0x66: {  	_ =	shalt  }
0x67: {  	_ =	shalt  }
0x68: {  	_ =	shalt  }
0x69: {  	_ =	shalt  }
0x6a: {  	_ =	shalt  }
0x6b: {  	_ =	shalt  }
0x6c: {  	_ =	shalt  }
0x6d: {  	_ =	shalt  }
0x6e: {  	_ =	shalt  }
0x6f: {  	_ =	shalt  }
0x70: {  	_ =	shalt  }
0x71: {  	_ =	shalt  }
0x72: {  	_ =	shalt  }
0x73: {  	_ =	shalt  }
0x74: {  	_ =	shalt  }
0x75: {  	_ =	shalt  }
0x76: {  	_ =	shalt  }
0x77: {  	_ =	shalt  }
0x78: {  	_ =	shalt  }
0x79: {  	_ =	shalt  }
0x7a: {  	_ =	shalt  }
0x7b: {  	_ =	shalt  }
0x7c: {  	_ =	shalt  }
0x7d: {  	_ =	shalt  }
0x7e: {  	_ =	shalt  }
0x7f: {  	_ =	shalt  }
0x80: {  	_ =	shalt  }
0x81: {  	_ =	shalt  }
0x82: {  	_ =	shalt  }
0x83: {  	_ =	shalt  }
0x84: {  	_ =	shalt  }
0x85: {  	_ =	shalt  }
0x86: {  	_ =	shalt  }
0x87: {  	_ =	shalt  }
.Lfunc_end0:
.L_simem_size_0:
called_computation_lowered:
.L_overlay_start_0:
0x88: {  	s2 =	sld [smem:$0x3FD9]  }
0x89: {  	s3 =	sld [smem:$0x3FFE];
	_ =	sdelay $0x1  }
0x8a: {  	s1 =	srdreg.scid  }
0x8b: {  	s0 =	sand.u32 $0x1, s1  }
0x8c: {  	s17 =	sshll.u32 s0, $0xA;
	s2 =	sadd.s32 s3, s2  }
0x8d: {  	s2 =	sadd.s32 s2, s17  }
0x8e: {  	[smem:$0x3F9A] =	sst s2  }
0x8f: {  	_ = 	snop  }
0x90: {  	s2 =	sld [smem:$0x3FD0];
	(tm) =	ssettm $0x1  }
0x91: {  	s18 =	sld [smem:$0x3FFB];
	_ =	sdelay $0x3  }
0x92: {  	_ =	strace s18  }
0x93: {  	s3 =	sld [smem:$0x3FFC];
	_ =	sdelay $0x3  }
0x94: {  	_ =	strace s3  }
0x95: {  	s3 =	sld [smem:$0x3FFD];
	_ =	sdelay $0x3  }
0x96: {  	_ =	strace s3  }
0x97: {  	_ =	strace $0x8FFFFFFF  }
0x98: {  	s19 =	sld [smem:$0x3FDB];
	_ =	sdelay $0x1  }
0x99: {  	s4 =	simm.s32 $_scs_section_size  }
0x9a: {  	s5 =	simm.s32 $_size__tile_overlayer_lowered;
	s6 =	simm.s32 $_tile_overlayer_lowered  }
0x9b: {  	s22 =	simm.s32 $0x1BFF;
	s21 =	sshll.u32 s6, $0x1;
	s3 =	sadd.s32 s4, s19  }
0x9c: {  	s7 =	simm.s32 $0x0;
	s20 =	sshll.u32 s5, $0x1;
	s5 =	sadd.s32 s21, s3  }
0x9d: {  	[timem:s7], [sflag:s22] =	dma.local [hbm:s5], s20  }
0x9e: {  	_ =	swait.ge [sflag:s22], s20  }
0x9f: {  	s4 =	ssub.s32 $0x0, s20;
	[sflag:s22] =	ssyncset.done $0x0  }
0xa0: {  	[sflag:s22] =	ssyncadd.s32 s4;
	_ =	sdelay $0x1  }
0xa1: {  	s23 =	simm.s32 $0x1B8B  }
0xa2: {  	_ =	swait.ge [sflag:s23], $0x1  }
0xa3: {  	[sflag:s23] =	ssyncset.done $0x0  }
0xa4: {  	s25 =	simm.s32 $0x1B8E;
	s24 =	sld [smem:$0x3FFE];
	[sflag:s23] =	ssyncadd.s32 $0xFFFFFFFF  }
0xa5: {  	s26 =	simm.s32 $execute0_lowered;
	[smem:$0x3FD2] =	sst s25  }
0xa6: {  	s5 =	sshll.u32 s26, $0x1;
	_ =	strace $0x80000046;
	[dreg:$0x1] =	wrdreg $0xFFFFFFFF  }
0xa7: {  	s28 =	simm.s32 $_size_execute0_lowered;
	s3 =	sadd.s32 s3, s5;
	[dreg:$0x0] =	wrdreg $0x0  }
0xa8: {  	s5 =	sshll.u32 s28, $0x1;
	[dreg:$0x2] =	wrdreg s3  }
0xa9: {  	[dreg:$0x3] =	wrdreg s5  }
0xaa: {  	[dreg:$0x4] =	wrdreg $0xC0  }
0xab: {  	_ =	task [dreg:s7], $0x5FFFF  }
0xac: {  	[dreg:$0x1] =	wrdreg $0xFFFFFFFF  }
0xad: {  	[dreg:$0x0] =	wrdreg $0x60  }
0xae: {  	[dreg:$0x2] =	wrdreg s2  }
0xaf: {  	[dreg:$0x3] =	wrdreg s24  }
0xb0: {  	[dreg:$0x4] =	wrdreg $0x9  }
0xb1: {  	_ =	task.clear_ibuf [dreg:s7], $0x5FFFF;
	_ =	strace $0x90000046  }
0xb2: {  	s29 =	simm.s32 $0x9;
	_ =	strace $0x80000048  }
0xb3: {  	_ =	swait.ge [sflag:s29], $0x1  }
0xb4: {  	[sflag:s29] =	ssyncadd.s32 $0xFFFFFFFF  }
0xb5: {  	_ =	strace $0x90000048  }
0xb6: {  	_ =	sfence  }
0xb7: {  	s30 =	sld [smem:$0x0];
	_ =	sdelay $0x2  }
0xb8: {  	s31 =	sshll.u32 s1, $0xD;
	s1 =	sshrl.u32 s1, $0x2  }
0xb9: {  	s3 =	sand.u32 $0x4000, s31;
	s1 =	sadd.s32 s1, s30  }
0xba: {  	s0 =	sor.u32 s3, s0;
	s1 =	sshll.u32 s1, $0x11  }
0xbb: {  	s0 =	sor.u32 s1, s0  }
0xbc: {  	s0 =	sadd.s32 $0x8F2B, s0  }
0xbd: {  	[sflag:s0] =	ssyncadd.remote.s32 $0x1  }
0xbe: {  	_ =	sfence.sel $0xFFFF  }
0xbf: {  	[dreg:$0x0] =	wrdreg $0xFFFFFFFF;
	(pc) =	sbr.abs _section_cstart, $3  }
0xc0: {  	[dreg:$0x1] =	wrdreg $0xFFFFFFFF  }
0xc1: {  	_ =	task.clear_ibuf [dreg:s7], $0x2FFFF;
	_ =	strace $0x9FFFFFFF  }
0xc2: {  	(tm) =	ssettm $0x7FFFFFFF  }
0xc3: {  	_ =	shalt  }
tec
execute0_lowered:
.L_overlay_start_1:
0x0: {  	(tag) =	ssettag $0x1  }
0x1: {  	s2 =	rddreg [dreg:$0x0]  }
0x2: {  	s7 =	rddreg [dreg:$0x1]  }
0x3: {  	s0 =	rddreg [dreg:$0x2]  }
0x4: {  	s1 =	srdreg.scid;
	_ =	strace $0x80000047;
	s4 =	simm.s32 $0x1  }
0x5: {  	s9 =	simm.s32 $0x3;
	s12 =	simm.s32 $0x0;
	s5 =	sshll.u32 s1, $0x4  }
.Ltmp0:
0x6: {  	s1 =	stileid.u32;
	s5 =	sand.u32 $0x10, s5;
	(pc) =	sbr.rel .LBB2_1-.Ltmp0, $4  }
0x7: {  	s10 =	simm.s32 $0x0;
	s3 =	sadd.s32 $0x66C00, s7;
	s6 =	sor.u32 s1, s5  }
0x8: {  	[sflag:s4] =	ssyncpa.u1 $0x0;
	s5 =	simm.s32 $0x2;
	s6 =	sshll.u32 s6, $0x6  }
0x9: {  	s7 =	sadd.s32 $0x67000, s7;
	[sflag:s5] =	ssyncpa.u1 $0x0;
	s8 =	sadd.s32 $0x40, s6  }
0xa: {  	vm0 =	vmmov $0xff;
	vm1 =	vcmask $0x3F20;
	[sflag:s9] =	ssyncpa.u1 $0x0;
	s9 =	simm.s32 $0x40;
	s11 =	smov.u32 s6  }
.LBB2_10:
0xb: {  	[hbm:s16] =	stream.linear.scatter [tilespmem:s13], [sflag:$0x3], $0x800, $0x38;
	[tilespmem:$0x8080] =	vst v63  }
.LBB2_11:
0xc: {  	p0 =	seq.s32 s10, $0x2  }
.Ltmp1:
0xd: {  	_ = 	snop;
	(pc) =	sbr.rel @p0 .LBB2_13-.Ltmp1, $1  }
0xe: {  	_ =	sdelay $0x3  }
.LBB2_12:
0xf: {  	s12 =	sadd.s32 $0x40, s11  }
0x10: {  	s13 =	smov.u32 s6;
	p0 =	slt.s32 s12, s8  }
0x11: {  	s13 =	smov.u32 @p0 s12  }
0x12: {  	s10 =	sadd.s32 $0x1, s10;
	s12 =	smov.u32 s11;
	s11 =	smov.u32 s13  }
.LBB2_1:
0x13: {  	p0 =	sne.s32 s10, $0x0  }
.Ltmp2:
0x14: {  	_ = 	snop;
	(pc) =	sbr.rel @!p0 .LBB2_2-.Ltmp2, $1  }
0x15: {  	_ =	sdelay $0x3  }
0x16: {  	s13 =	sand.u32 $0x1, s10  }
0x17: {  	p0 =	seq.s32 s13, $0x0  }
.Ltmp3:
0x18: {  	_ = 	snop;
	(pc) =	sbr.rel @p0 .LBB2_11-.Ltmp3, $1  }
0x19: {  	_ =	sdelay $0x3  }
0x1a: {  	_ =	swait.ge [sflag:s5], $0x40  }
0x1b: {  	[sflag:s5] =	ssyncset.done $0x0  }
0x1c: {  	s13 =	simm.s32 $0x0;
	[sflag:s5] =	ssyncadd.s32 $0xFFFFFFC0  }
.LBB2_5:
0x1d: {  	s14 =	sshll.u32 s13, $0x4  }
0x1e: {  	s14 =	sand.u32 $0x3FFFFFF0, s14  }
0x1f: {  	v0 =	vld.msk [tilespmem:s14+$0x40 ss:$0x1], $0xffff;
	_ =	sdelay $0x4  }
0x20: {  	vm2 =	vgt.s32 v0, $0x0  }
0x21: {  	v0 =	vnsel vm2, $0x0, v0  }
0x22: {  	v0 =	vmin.u32 v0, $0x13FF  }
0x23: {  	s31 =	sshll.u32 s13, $0xC;
	v1 =	vshll.u32 v0, $0x5;
	v0 =	vshll.u32 v0, $0x4  }
0x24: {  	s14 =	sand.u32 $0x3FFFF000, s31;
	v1 =	vand.u32 $0x3FF00, v1;
	v0 =	vand.u32 $0x70, v0  }
0x25: {  	p0 =	por $0x1, $0x1;
	s15 =	simm.s32 $0x0;
	s14 =	sadd.s32 $0x4080, s14;
	v0 =	vor.u32 v0, v1  }
.LBB2_6:
0x26: {  	_ =	sdelay $0x1  }
0x27: {  	s15 =	sshra.s32 s15, $0x2;
	p1 =	por p0, p0  }
.Ltmp4:
0x28: {  	s15 =	sadd.s32 s15, s14;
	(pc) =	sbr.rel @p1 .LBB2_6-.Ltmp4, $4  }
0x29: {  	[tilespmem:s15], [sflag:$0x1] =	stream.indirect_vreg.gather [hbm:s2], $0x80, v0, vm0, $0x38;
	[tilespmem:$0x8080] =	vst v63  }
0x2a: {  	s15 =	sadd.s32 $0x800, s15  }
0x2b: {  	[tilespmem:s15], [sflag:$0x1] =	stream.indirect_vreg.gather [hbm:s2], $0x80, v0, vm1, $0x38;
	[tilespmem:$0x8080] =	vst v63  }
0x2c: {  	p0 =	por $0x0, $0x0;
	v0 =	vadd.s32 $0x80, v0;
	s15 =	simm.s32 $0x1000  }
0x2d: {  	s13 =	sadd.s32 $0x1, s13  }
0x2e: {  	p0 =	sne.s32 s13, $0x4  }
.Ltmp5:
0x2f: {  	_ = 	snop;
	(pc) =	sbr.rel @p0 .LBB2_5-.Ltmp5, $1  }
0x30: {  	_ =	sdelay $0x3  }
0x31: {  	s13 =	sshll.u32 s12, $0x5  }
0x32: {  	_ =	swait.ge [sflag:s4], $0x4000;
	s31 =	sshll.u32 s12, $0x4;
	s13 =	sand.u32 $0xFFFFFF00, s13  }
0x33: {  	s14 =	simm.s32 $0x100;
	s12 =	sand.u32 $0x70, s31;
	s13 =	sadd.s32 s13, s7  }
0x34: {  	s15 =	simm.s32 $0x4880;
	[sflag:s4] =	ssyncset.done $0x0;
	s12 =	sadd.s32 s12, s13  }
0x35: {  	[sflag:s4] =	ssyncadd.s32 $0xFFFFC000;
	s13 =	simm.s32 $0x4080;
	s16 =	sadd.s32 $0x0, s12  }
.LBB2_9:
0x36: {  	[hbm:s16] =	stream.linear.scatter [tilespmem:s13], [sflag:$0x3], $0x800, $0x38;
	[tilespmem:$0x8080] =	vst v63  }
0x37: {  	s16 =	smov.u32 s14;
	s13 =	smov.u32 s15;
	p0 =	sne.s32 s14, $0x700  }
.Ltmp6:
0x38: {  	s14 =	sadd.s32 $0x100, s14;
	(pc) =	sbr.rel @p0 .LBB2_9-.Ltmp6, $2  }
0x39: {  	_ =	sdelay $0x2  }
0x3a: {  	s15 =	sadd.s32 $0x800, s15;
	s16 =	sadd.s32 s16, s12  }
.Ltmp7:
0x3b: {  	_ = 	snop;
	(pc) =	sbr.rel .LBB2_10-.Ltmp7, $1  }
0x3c: {  	_ =	sdelay $0x3  }
.LBB2_2:
.Ltmp8:
0x3d: {  	(pc) =	sbr.rel .LBB2_12-.Ltmp8, $4  }
0x3e: {  	_ = 	snop  }
0x3f: {  	s12 =	sshrl.u32 s11, $0x3  }
0x40: {  	s13 =	sand.u32 $0x7, s11;
	s12 =	sadd.s32 s3, s12  }
0x41: {  	[tilespmem:s9], [sflag:$0x2] =	stream.linear.gather [hbm4b:s12+s13], $0x40, $0x38;
	[tilespmem:$0x8080] =	vst v63  }
.LBB2_13:
0x42: {  	s2 =	simm.s32 $0x3  }
0x43: {  	_ =	swait.ge [sflag:s2], $0x4000  }
0x44: {  	[sflag:s2] =	ssyncset.done $0x0  }
0x45: {  	[sflag:s2] =	ssyncadd.s32 $0xFFFFC000  }
0x46: {  	_ =	sfence.sel $0x180000  }
0x47: {  	s3 =	simm.s32 $0x2;
	[bflag:$0x0] =	sbarrier.arrive $0xFFFF  }
0x48: {  	[sflag:s3] =	ssyncpa.u1 $0x1  }
0x49: {  	s31 =	simm.s32 $0x1;
	[sflag:s2] =	ssyncpa.u1 $0x1  }
0x4a: {  	[sflag:s31] =	ssyncpa.u1 $0x1  }
0x4b: {  	p0 =	sne.s32 s1, $0x0;
	_ =	strace $0x90000047  }
0x4c: {  	s0 =	sadd.s32 @!p0 $0x100000, s0;
	[bflag:$0x2] =	sbarrier.arrive $0xFFFF  }
0x4d: {  	[sflag:s0] =	ssyncadd.tile.s32 @!p0 $0x1;
	_ =	shalt  }
.Lfunc_end2:
_tile_overlayer_lowered:
.L_overlay_start_2:
0x4e: {  	(tag) =	ssettag $0x2  }
0x4f: {  	s0 =	rddreg [dreg:$0x0];
	s2 =	stileid.u32  }
0x50: {  	s1 =	rddreg [dreg:$0x1];
	p0 =	sne.s32 s2, $0x0  }
0x51: {  	s3 =	rddreg [dreg:$0x2];
	[bflag:$0x3] =	sbarrier.arrive $0xFFFF;
	s2 =	simm.s32 @!p0 $0x1C01  }
0x52: {  	[timem:s3], [sflag:s2] =	dma.local @!p0 [hbm:s0], s1  }
0x53: {  	s0 =	simm.s32 @!p0 $0x1  }
0x54: {  	_ =	swait.ge @!p0 [sflag:s0], s1  }
0x55: {  	s1 =	ssub.s32 @!p0 $0x0, s1;
	[sflag:s0] =	ssyncset.done @!p0 $0x0  }
0x56: {  	[sflag:s0] =	ssyncadd.s32 @!p0 s1  }
0x57: {  	[bflag:$0x3] =	sbarrier.arrive $0xFFFF  }
0x58: {  	_ =	shalt  }

</sc_bundles>
